<compile_context>
chip_gen: v7x
topology: tpu7x:2x2x1
jax: 0.10.2.dev20260603
libtpu: 0.0.44.dev20260713+nightly
codegen_flags: <defaults>
</compile_context>

<pallas_src>
import jax
import jax.numpy as jnp
from jax import lax
from jax.experimental import pallas as pl
from jax.experimental.pallas import tpu as pltpu
from jax.experimental.pallas import tpu_sc as plsc

_NUM_CODEBOOKS = 32
_VOCAB = 2048
_HIDDEN = 2048
_BATCH = 1024

_NC, _NS, _L = 2, 16, 16
_NW = _NC * _NS
_TOTAL = _BATCH * _NUM_CODEBOOKS
_PER_W = _TOTAL // _NW
_K = 16
_NCHUNK = _PER_W // _K
_NBUF = 3


def _body(ids_hbm, table_hbm, out_hbm, idx_v, buf0, buf1, buf2,
          g0, g1, g2, o0, o1, o2):
    c = lax.axis_index("c")
    s = lax.axis_index("s")
    wid = s * _NC + c
    base = wid * _PER_W

    pltpu.sync_copy(ids_hbm.at[pl.ds(wid * _NCHUNK, _NCHUNK)], idx_v)

    lane = lax.iota(jnp.int32, _L)
    off_even = lane * _VOCAB
    off_odd = (lane + _L) * _VOCAB

    bufs = (buf0, buf1, buf2)
    gsem = (g0, g1, g2)
    osem = (o0, o1, o2)

    def start_gather(j, b):
        pltpu.async_copy(table_hbm.at[idx_v.at[j]], bufs[b], gsem[b])

    def start_out(j, b):
        pltpu.async_copy(bufs[b], out_hbm.at[pl.ds(base + j * _K, _K)], osem[b])

    def wait_gather(b):
        pltpu.make_async_copy(table_hbm.at[pl.ds(0, _K)], bufs[b], gsem[b]).wait()

    def wait_out(b):
        pltpu.make_async_copy(bufs[b], out_hbm.at[pl.ds(0, _K)], osem[b]).wait()

    idx_v[0] = idx_v[0] + off_even
    idx_v[1] = idx_v[1] + off_odd
    idx_v[2] = idx_v[2] + off_even
    idx_v[3] = idx_v[3] + off_odd
    start_gather(0, 0)
    start_gather(1, 1)
    start_gather(2, 2)

    @pl.loop(4, _NCHUNK, step=2)
    def _offsets(j0):
        idx_v[j0] = idx_v[j0] + off_even
        idx_v[j0 + 1] = idx_v[j0 + 1] + off_odd

    wait_gather(0); start_out(0, 0)
    wait_gather(1); start_out(1, 1); wait_out(0); start_gather(3, 0)

    @pl.loop(2, _NCHUNK - 2, step=3)
    def _pipeline(j0):
        for i in range(3):
            j = j0 + i
            b = (2 + i) % 3
            bn = (b + 2) % 3
            wait_gather(b)
            start_out(j, b)
            wait_out(bn)
            start_gather(j + 2, bn)

    jm = _NCHUNK - 2
    wait_gather(2); start_out(jm, 2); wait_out(1)
    wait_gather(0); start_out(jm + 1, 0); wait_out(2)
    wait_out(0)


@jax.jit
def kernel(input_ids, table):
    flat_ids = input_ids.astype(jnp.int32).reshape(_TOTAL // _L, _L)
    mesh = plsc.VectorSubcoreMesh(
        core_axis_name="c", subcore_axis_name="s",
        num_cores=_NC, num_subcores=_NS,
    )
    out = pl.kernel(
        _body,
        out_type=jax.ShapeDtypeStruct((_TOTAL, _HIDDEN), jnp.float32),
        mesh=mesh,
        scratch_types=[
            pltpu.VMEM((_NCHUNK, _L), jnp.int32),
            pltpu.VMEM((_K, _HIDDEN), jnp.float32),
            pltpu.VMEM((_K, _HIDDEN), jnp.float32),
            pltpu.VMEM((_K, _HIDDEN), jnp.float32),
            pltpu.SemaphoreType.DMA,
            pltpu.SemaphoreType.DMA,
            pltpu.SemaphoreType.DMA,
            pltpu.SemaphoreType.DMA,
            pltpu.SemaphoreType.DMA,
            pltpu.SemaphoreType.DMA,
        ],
    )(flat_ids, table)
    return out.reshape(_BATCH, _NUM_CODEBOOKS, _HIDDEN)

# --- scband reference (transcript-rebuilt; emitter-appended) ---
"""Pipeline reference for scband-chroma-audio-embedding-75496935129602 (READ-ONLY COPY).

The authoritative reference and input builder live on the scoring server;
editing this copy changes nothing except your own understanding.
"""

import jax, jax.numpy as jnp
import numpy as np

AUDIO_NUM_CODEBOOKS = 32
AUDIO_VOCAB_SIZE = 2048
HIDDEN_SIZE = 2048
BATCH = 1024


def setup_inputs(seed: int = 0) -> dict:
    key = jax.random.key(seed)
    k1, k2 = jax.random.split(key)
    input_ids = jax.random.randint(k1, (BATCH, AUDIO_NUM_CODEBOOKS), 0, AUDIO_VOCAB_SIZE, dtype=jnp.int64 if jax.config.jax_enable_x64 else jnp.int32)
    # learned embedding table: [num_codebooks * vocab, hidden]
    table = jax.random.normal(k2, (AUDIO_NUM_CODEBOOKS * AUDIO_VOCAB_SIZE, HIDDEN_SIZE), dtype=jnp.float32) * 0.02
    return {"input_ids": input_ids, "table": table}


def reference(input_ids, table):
    num_codebooks = input_ids.shape[-1]
    offsets = jnp.arange(num_codebooks, dtype=input_ids.dtype)
    audio_frames = input_ids + AUDIO_VOCAB_SIZE * offsets
    flat = audio_frames.reshape(-1)
    embeddings = jnp.take(table, flat, axis=0).reshape(audio_frames.shape + (HIDDEN_SIZE,))
    return embeddings

if __name__ == "__main__":
    import jax
    _d = setup_inputs()
    print(jax.jit(kernel)(*tuple(_d.values())))

</pallas_src>

<mosaic_0001>
#map = affine_map<(d0, d1) -> (0, 0)>
module attributes {stable_mosaic.version = 14 : i64} {
  func.func @_body(%arg0: i32, %arg1: i32, %arg2: memref<2048x16xi32, #tpu.memory_space<hbm>>, %arg3: memref<65536x2048xf32, #tpu.memory_space<hbm>>, %arg4: memref<32768x2048xf32, #tpu.memory_space<hbm>>, %arg5: memref<64x16xi32, #tpu.memory_space<vmem>>, %arg6: memref<16x2048xf32, #tpu.memory_space<vmem>>, %arg7: memref<16x2048xf32, #tpu.memory_space<vmem>>, %arg8: memref<16x2048xf32, #tpu.memory_space<vmem>>, %arg9: memref<!tpu.dma_semaphore, #tpu.memory_space<semaphore_mem>>, %arg10: memref<!tpu.dma_semaphore, #tpu.memory_space<semaphore_mem>>, %arg11: memref<!tpu.dma_semaphore, #tpu.memory_space<semaphore_mem>>, %arg12: memref<!tpu.dma_semaphore, #tpu.memory_space<semaphore_mem>>, %arg13: memref<!tpu.dma_semaphore, #tpu.memory_space<semaphore_mem>>, %arg14: memref<!tpu.dma_semaphore, #tpu.memory_space<semaphore_mem>>) attributes {dimension_semantics = [#tpu.dimension_semantics<core_parallel>, #tpu.dimension_semantics<subcore_parallel>], iteration_bounds = array<i64: 2, 16>, scalar_prefetch = 0 : i64, scratch_operands = 10 : i64, tpu.core_type = #tpu.core_type<sc_vector_subcore>, window_params = [{transform_indices = #map}, {transform_indices = #map}, {transform_indices = #map}]} {
    %mul3A = arith.constant 2 : i32
    %mul3A_0 = arith.muli %arg1, %mul3A : i32
    %add3A = arith.addi %mul3A_0, %arg0 : i32
    %mul3A_1 = arith.constant 1024 : i32
    %mul3A_2 = arith.muli %add3A, %mul3A_1 : i32
    %mul3A_3 = arith.constant 64 : i32
    %mul3A_4 = arith.muli %add3A, %mul3A_3 : i32
    "tpu.region"() ({
      %run_scoped3A = tpu.sem_alloc : memref<!tpu.dma_semaphore, #tpu.memory_space<semaphore_mem>>
      %dma_start3A_167 = arith.constant 0 : i32
      %dma_start3A_168 = tpu.memref_slice %arg2[%mul3A_4, %dma_start3A_167] : memref<2048x16xi32, #tpu.memory_space<hbm>> -> memref<64x16xi32, #tpu.memory_space<hbm>>
      %dma_start3A_169 = arith.constant 0 : i32
      %dma_start3A_170 = tpu.memref_slice %arg2[%mul3A_4, %dma_start3A_169] : memref<2048x16xi32, #tpu.memory_space<hbm>> -> memref<64x16xi32, #tpu.memory_space<hbm>>
      tpu.enqueue_dma source(%dma_start3A_170 : memref<64x16xi32, #tpu.memory_space<hbm>>) target(%arg5 : memref<64x16xi32, #tpu.memory_space<vmem>>) target_semaphore(%run_scoped3A : memref<!tpu.dma_semaphore, #tpu.memory_space<semaphore_mem>>)
      %dma_wait3A_171 = arith.constant 0 : i32
      %dma_wait3A_172 = tpu.memref_slice %arg2[%mul3A_4, %dma_wait3A_171] : memref<2048x16xi32, #tpu.memory_space<hbm>> -> memref<64x16xi32, #tpu.memory_space<hbm>>
      %dma_wait3A_173 = arith.constant 0 : i32
      %dma_wait3A_174 = tpu.memref_slice %arg2[%mul3A_4, %dma_wait3A_173] : memref<2048x16xi32, #tpu.memory_space<hbm>> -> memref<64x16xi32, #tpu.memory_space<hbm>>
      tpu.wait_dma2 semaphore(%run_scoped3A : memref<!tpu.dma_semaphore, #tpu.memory_space<semaphore_mem>>) src(%dma_wait3A_174 : memref<64x16xi32, #tpu.memory_space<hbm>>) dst(%arg5 : memref<64x16xi32, #tpu.memory_space<vmem>>)
      tpu.yield
    }) : () -> ()
    %iota3A = tpu.iota {dimensions = array<i32: 0>} : vector<16xi32>
    %mul3A_5 = arith.constant 2048 : i32
    %mul3A_6 = vector.broadcast %mul3A_5 : i32 to vector<16xi32>
    %mul3A_7 = arith.muli %iota3A, %mul3A_6 : vector<16xi32>
    %add3A_8 = arith.constant 16 : i32
    %add3A_9 = vector.broadcast %add3A_8 : i32 to vector<16xi32>
    %add3A_10 = arith.addi %iota3A, %add3A_9 : vector<16xi32>
    %mul3A_11 = arith.constant 2048 : i32
    %mul3A_12 = vector.broadcast %mul3A_11 : i32 to vector<16xi32>
    %mul3A_13 = arith.muli %add3A_10, %mul3A_12 : vector<16xi32>
    %get3A = arith.constant 0 : i32
    %get3A_14 = arith.index_cast %get3A : i32 to index
    %get3A_15 = arith.constant 0 : index
    %get3A_16 = tpu.vector_load %arg5[%get3A_14, %get3A_15] {strides = array<i32>} : memref<64x16xi32, #tpu.memory_space<vmem>>, vector<1x16xi32>,
    %get3A_17 = vector.shape_cast %get3A_16 : vector<1x16xi32> to vector<16xi32>
    %add3A_18 = arith.addi %get3A_17, %mul3A_7 : vector<16xi32>
    %swap3A = arith.constant 0 : i32
    %swap3A_19 = arith.index_cast %swap3A : i32 to index
    %swap3A_20 = arith.constant 0 : index
    %swap3A_21 = tpu.vector_load %arg5[%swap3A_19, %swap3A_20] {strides = array<i32>} : memref<64x16xi32, #tpu.memory_space<vmem>>, vector<1x16xi32>,
    %swap3A_22 = vector.shape_cast %swap3A_21 : vector<1x16xi32> to vector<16xi32>
    %swap3A_23 = vector.shape_cast %add3A_18 : vector<16xi32> to vector<1x16xi32>
    tpu.vector_store %arg5[%swap3A_19, %swap3A_20], %swap3A_23 {strides = array<i32>} : memref<64x16xi32, #tpu.memory_space<vmem>>, vector<1x16xi32>,
    %get3A_24 = arith.constant 1 : i32
    %get3A_25 = arith.index_cast %get3A_24 : i32 to index
    %get3A_26 = arith.constant 0 : index
    %get3A_27 = tpu.vector_load %arg5[%get3A_25, %get3A_26] {strides = array<i32>} : memref<64x16xi32, #tpu.memory_space<vmem>>, vector<1x16xi32>,
    %get3A_28 = vector.shape_cast %get3A_27 : vector<1x16xi32> to vector<16xi32>
    %add3A_29 = arith.addi %get3A_28, %mul3A_13 : vector<16xi32>
    %swap3A_30 = arith.constant 1 : i32
    %swap3A_31 = arith.index_cast %swap3A_30 : i32 to index
    %swap3A_32 = arith.constant 0 : index
    %swap3A_33 = tpu.vector_load %arg5[%swap3A_31, %swap3A_32] {strides = array<i32>} : memref<64x16xi32, #tpu.memory_space<vmem>>, vector<1x16xi32>,
    %swap3A_34 = vector.shape_cast %swap3A_33 : vector<1x16xi32> to vector<16xi32>
    %swap3A_35 = vector.shape_cast %add3A_29 : vector<16xi32> to vector<1x16xi32>
    tpu.vector_store %arg5[%swap3A_31, %swap3A_32], %swap3A_35 {strides = array<i32>} : memref<64x16xi32, #tpu.memory_space<vmem>>, vector<1x16xi32>,
    %get3A_36 = arith.constant 2 : i32
    %get3A_37 = arith.index_cast %get3A_36 : i32 to index
    %get3A_38 = arith.constant 0 : index
    %get3A_39 = tpu.vector_load %arg5[%get3A_37, %get3A_38] {strides = array<i32>} : memref<64x16xi32, #tpu.memory_space<vmem>>, vector<1x16xi32>,
    %get3A_40 = vector.shape_cast %get3A_39 : vector<1x16xi32> to vector<16xi32>
    %add3A_41 = arith.addi %get3A_40, %mul3A_7 : vector<16xi32>
    %swap3A_42 = arith.constant 2 : i32
    %swap3A_43 = arith.index_cast %swap3A_42 : i32 to index
    %swap3A_44 = arith.constant 0 : index
    %swap3A_45 = tpu.vector_load %arg5[%swap3A_43, %swap3A_44] {strides = array<i32>} : memref<64x16xi32, #tpu.memory_space<vmem>>, vector<1x16xi32>,
    %swap3A_46 = vector.shape_cast %swap3A_45 : vector<1x16xi32> to vector<16xi32>
    %swap3A_47 = vector.shape_cast %add3A_41 : vector<16xi32> to vector<1x16xi32>
    tpu.vector_store %arg5[%swap3A_43, %swap3A_44], %swap3A_47 {strides = array<i32>} : memref<64x16xi32, #tpu.memory_space<vmem>>, vector<1x16xi32>,
    %get3A_48 = arith.constant 3 : i32
    %get3A_49 = arith.index_cast %get3A_48 : i32 to index
    %get3A_50 = arith.constant 0 : index
    %get3A_51 = tpu.vector_load %arg5[%get3A_49, %get3A_50] {strides = array<i32>} : memref<64x16xi32, #tpu.memory_space<vmem>>, vector<1x16xi32>,
    %get3A_52 = vector.shape_cast %get3A_51 : vector<1x16xi32> to vector<16xi32>
    %add3A_53 = arith.addi %get3A_52, %mul3A_13 : vector<16xi32>
    %swap3A_54 = arith.constant 3 : i32
    %swap3A_55 = arith.index_cast %swap3A_54 : i32 to index
    %swap3A_56 = arith.constant 0 : index
    %swap3A_57 = tpu.vector_load %arg5[%swap3A_55, %swap3A_56] {strides = array<i32>} : memref<64x16xi32, #tpu.memory_space<vmem>>, vector<1x16xi32>,
    %swap3A_58 = vector.shape_cast %swap3A_57 : vector<1x16xi32> to vector<16xi32>
    %swap3A_59 = vector.shape_cast %add3A_53 : vector<16xi32> to vector<1x16xi32>
    tpu.vector_store %arg5[%swap3A_55, %swap3A_56], %swap3A_59 {strides = array<i32>} : memref<64x16xi32, #tpu.memory_space<vmem>>, vector<1x16xi32>,
    %dma_start3A = arith.constant 0 : i32
    %dma_start3A_60 = arith.constant 0 : i32
    %dma_start3A_61 = tpu.memref_slice %arg5[%dma_start3A, %dma_start3A_60] : memref<64x16xi32, #tpu.memory_space<vmem>> -> memref<1x16xi32, #tpu.memory_space<vmem>>
    %dma_start3A_62 = tpu.memref_squeeze %dma_start3A_61 : memref<1x16xi32, #tpu.memory_space<vmem>> -> memref<16xi32, #tpu.memory_space<vmem>>
    %dma_start3A_63 = arith.constant 0 : i32
    %dma_start3A_64 = arith.constant 0 : i32
    %dma_start3A_65 = tpu.memref_slice %arg3[%dma_start3A_63, %dma_start3A_64] : memref<65536x2048xf32, #tpu.memory_space<hbm>> -> memref<65536x2048xf32, #tpu.memory_space<hbm>>
    tpu.enqueue_indirect_dma source(%dma_start3A_65 : memref<65536x2048xf32, #tpu.memory_space<hbm>>) target(%arg6 : memref<16x2048xf32, #tpu.memory_space<vmem>>) offsets(%dma_start3A_62 : memref<16xi32, #tpu.memory_space<vmem>>) semaphore(%arg9 : memref<!tpu.dma_semaphore, #tpu.memory_space<semaphore_mem>>)
    %dma_start3A_66 = arith.constant 1 : i32
    %dma_start3A_67 = arith.constant 0 : i32
    %dma_start3A_68 = tpu.memref_slice %arg5[%dma_start3A_66, %dma_start3A_67] : memref<64x16xi32, #tpu.memory_space<vmem>> -> memref<1x16xi32, #tpu.memory_space<vmem>>
    %dma_start3A_69 = tpu.memref_squeeze %dma_start3A_68 : memref<1x16xi32, #tpu.memory_space<vmem>> -> memref<16xi32, #tpu.memory_space<vmem>>
    %dma_start3A_70 = arith.constant 0 : i32
    %dma_start3A_71 = arith.constant 0 : i32
    %dma_start3A_72 = tpu.memref_slice %arg3[%dma_start3A_70, %dma_start3A_71] : memref<65536x2048xf32, #tpu.memory_space<hbm>> -> memref<65536x2048xf32, #tpu.memory_space<hbm>>
    tpu.enqueue_indirect_dma source(%dma_start3A_72 : memref<65536x2048xf32, #tpu.memory_space<hbm>>) target(%arg7 : memref<16x2048xf32, #tpu.memory_space<vmem>>) offsets(%dma_start3A_69 : memref<16xi32, #tpu.memory_space<vmem>>) semaphore(%arg10 : memref<!tpu.dma_semaphore, #tpu.memory_space<semaphore_mem>>)
    %dma_start3A_73 = arith.constant 2 : i32
    %dma_start3A_74 = arith.constant 0 : i32
    %dma_start3A_75 = tpu.memref_slice %arg5[%dma_start3A_73, %dma_start3A_74] : memref<64x16xi32, #tpu.memory_space<vmem>> -> memref<1x16xi32, #tpu.memory_space<vmem>>
    %dma_start3A_76 = tpu.memref_squeeze %dma_start3A_75 : memref<1x16xi32, #tpu.memory_space<vmem>> -> memref<16xi32, #tpu.memory_space<vmem>>
    %dma_start3A_77 = arith.constant 0 : i32
    %dma_start3A_78 = arith.constant 0 : i32
    %dma_start3A_79 = tpu.memref_slice %arg3[%dma_start3A_77, %dma_start3A_78] : memref<65536x2048xf32, #tpu.memory_space<hbm>> -> memref<65536x2048xf32, #tpu.memory_space<hbm>>
    tpu.enqueue_indirect_dma source(%dma_start3A_79 : memref<65536x2048xf32, #tpu.memory_space<hbm>>) target(%arg8 : memref<16x2048xf32, #tpu.memory_space<vmem>>) offsets(%dma_start3A_76 : memref<16xi32, #tpu.memory_space<vmem>>) semaphore(%arg11 : memref<!tpu.dma_semaphore, #tpu.memory_space<semaphore_mem>>)
    %scan3A = arith.constant 0 : i32
    %scan3A_80 = arith.constant 30 : i32
    %scan3A_81 = arith.addi %scan3A, %scan3A_80 : i32
    %scan3A_82 = arith.constant 1 : i32
    scf.for %scan3A_167 = %scan3A to %scan3A_81 step %scan3A_82  : i32 {
      %mul3A_168 = arith.constant 2 : i32
      %mul3A_169 = arith.muli %scan3A_167, %mul3A_168 : i32
      %add3A_170 = arith.constant 4 : i32
      %add3A_171 = arith.addi %add3A_170, %mul3A_169 : i32
      %get3A_172 = arith.index_cast %add3A_171 : i32 to index
      %get3A_173 = arith.constant 0 : index
      %get3A_174 = tpu.vector_load %arg5[%get3A_172, %get3A_173] {strides = array<i32>} : memref<64x16xi32, #tpu.memory_space<vmem>>, vector<1x16xi32>,
      %get3A_175 = vector.shape_cast %get3A_174 : vector<1x16xi32> to vector<16xi32>
      %add3A_176 = arith.addi %get3A_175, %mul3A_7 : vector<16xi32>
      %swap3A_177 = arith.index_cast %add3A_171 : i32 to index
      %swap3A_178 = arith.constant 0 : index
      %swap3A_179 = tpu.vector_load %arg5[%swap3A_177, %swap3A_178] {strides = array<i32>} : memref<64x16xi32, #tpu.memory_space<vmem>>, vector<1x16xi32>,
      %swap3A_180 = vector.shape_cast %swap3A_179 : vector<1x16xi32> to vector<16xi32>
      %swap3A_181 = vector.shape_cast %add3A_176 : vector<16xi32> to vector<1x16xi32>
      tpu.vector_store %arg5[%swap3A_177, %swap3A_178], %swap3A_181 {strides = array<i32>} : memref<64x16xi32, #tpu.memory_space<vmem>>, vector<1x16xi32>,
      %add3A_182 = arith.constant 1 : i32
      %add3A_183 = arith.addi %add3A_171, %add3A_182 : i32
      %get3A_184 = arith.index_cast %add3A_183 : i32 to index
      %get3A_185 = arith.constant 0 : index
      %get3A_186 = tpu.vector_load %arg5[%get3A_184, %get3A_185] {strides = array<i32>} : memref<64x16xi32, #tpu.memory_space<vmem>>, vector<1x16xi32>,
      %get3A_187 = vector.shape_cast %get3A_186 : vector<1x16xi32> to vector<16xi32>
      %add3A_188 = arith.addi %get3A_187, %mul3A_13 : vector<16xi32>
      %add3A_189 = arith.constant 1 : i32
      %add3A_190 = arith.addi %add3A_171, %add3A_189 : i32
      %swap3A_191 = arith.index_cast %add3A_190 : i32 to index
      %swap3A_192 = arith.constant 0 : index
      %swap3A_193 = tpu.vector_load %arg5[%swap3A_191, %swap3A_192] {strides = array<i32>} : memref<64x16xi32, #tpu.memory_space<vmem>>, vector<1x16xi32>,
      %swap3A_194 = vector.shape_cast %swap3A_193 : vector<1x16xi32> to vector<16xi32>
      %swap3A_195 = vector.shape_cast %add3A_188 : vector<16xi32> to vector<1x16xi32>
      tpu.vector_store %arg5[%swap3A_191, %swap3A_192], %swap3A_195 {strides = array<i32>} : memref<64x16xi32, #tpu.memory_space<vmem>>, vector<1x16xi32>,
    }
    %scan3A_83 = arith.constant 30 : i32
    %dma_wait3A = arith.constant 0 : i32
    %dma_wait3A_84 = arith.constant 0 : i32
    %dma_wait3A_85 = tpu.memref_slice %arg3[%dma_wait3A, %dma_wait3A_84] : memref<65536x2048xf32, #tpu.memory_space<hbm>> -> memref<16x2048xf32, #tpu.memory_space<hbm>>
    %dma_wait3A_86 = arith.constant 0 : i32
    %dma_wait3A_87 = arith.constant 0 : i32
    %dma_wait3A_88 = tpu.memref_slice %arg3[%dma_wait3A_86, %dma_wait3A_87] : memref<65536x2048xf32, #tpu.memory_space<hbm>> -> memref<16x2048xf32, #tpu.memory_space<hbm>>
    tpu.wait_dma2 semaphore(%arg9 : memref<!tpu.dma_semaphore, #tpu.memory_space<semaphore_mem>>) src(%dma_wait3A_88 : memref<16x2048xf32, #tpu.memory_space<hbm>>) dst(%arg6 : memref<16x2048xf32, #tpu.memory_space<vmem>>)
    %add3A_89 = arith.constant 0 : i32
    %add3A_90 = arith.addi %mul3A_2, %add3A_89 : i32
    %dma_start3A_91 = arith.constant 0 : i32
    %dma_start3A_92 = tpu.memref_slice %arg4[%add3A_90, %dma_start3A_91] : memref<32768x2048xf32, #tpu.memory_space<hbm>> -> memref<16x2048xf32, #tpu.memory_space<hbm>>
    %dma_start3A_93 = arith.constant 0 : i32
    %dma_start3A_94 = tpu.memref_slice %arg4[%add3A_90, %dma_start3A_93] : memref<32768x2048xf32, #tpu.memory_space<hbm>> -> memref<16x2048xf32, #tpu.memory_space<hbm>>
    tpu.enqueue_dma source(%arg6 : memref<16x2048xf32, #tpu.memory_space<vmem>>) target(%dma_start3A_94 : memref<16x2048xf32, #tpu.memory_space<hbm>>) target_semaphore(%arg12 : memref<!tpu.dma_semaphore, #tpu.memory_space<semaphore_mem>>)
    %dma_wait3A_95 = arith.constant 0 : i32
    %dma_wait3A_96 = arith.constant 0 : i32
    %dma_wait3A_97 = tpu.memref_slice %arg3[%dma_wait3A_95, %dma_wait3A_96] : memref<65536x2048xf32, #tpu.memory_space<hbm>> -> memref<16x2048xf32, #tpu.memory_space<hbm>>
    %dma_wait3A_98 = arith.constant 0 : i32
    %dma_wait3A_99 = arith.constant 0 : i32
    %dma_wait3A_100 = tpu.memref_slice %arg3[%dma_wait3A_98, %dma_wait3A_99] : memref<65536x2048xf32, #tpu.memory_space<hbm>> -> memref<16x2048xf32, #tpu.memory_space<hbm>>
    tpu.wait_dma2 semaphore(%arg10 : memref<!tpu.dma_semaphore, #tpu.memory_space<semaphore_mem>>) src(%dma_wait3A_100 : memref<16x2048xf32, #tpu.memory_space<hbm>>) dst(%arg7 : memref<16x2048xf32, #tpu.memory_space<vmem>>)
    %add3A_101 = arith.constant 16 : i32
    %add3A_102 = arith.addi %mul3A_2, %add3A_101 : i32
    %dma_start3A_103 = arith.constant 0 : i32
    %dma_start3A_104 = tpu.memref_slice %arg4[%add3A_102, %dma_start3A_103] : memref<32768x2048xf32, #tpu.memory_space<hbm>> -> memref<16x2048xf32, #tpu.memory_space<hbm>>
    %dma_start3A_105 = arith.constant 0 : i32
    %dma_start3A_106 = tpu.memref_slice %arg4[%add3A_102, %dma_start3A_105] : memref<32768x2048xf32, #tpu.memory_space<hbm>> -> memref<16x2048xf32, #tpu.memory_space<hbm>>
    tpu.enqueue_dma source(%arg7 : memref<16x2048xf32, #tpu.memory_space<vmem>>) target(%dma_start3A_106 : memref<16x2048xf32, #tpu.memory_space<hbm>>) target_semaphore(%arg13 : memref<!tpu.dma_semaphore, #tpu.memory_space<semaphore_mem>>)
    %dma_wait3A_107 = arith.constant 0 : i32
    %dma_wait3A_108 = arith.constant 0 : i32
    %dma_wait3A_109 = tpu.memref_slice %arg4[%dma_wait3A_107, %dma_wait3A_108] : memref<32768x2048xf32, #tpu.memory_space<hbm>> -> memref<16x2048xf32, #tpu.memory_space<hbm>>
    %dma_wait3A_110 = arith.constant 0 : i32
    %dma_wait3A_111 = arith.constant 0 : i32
    %dma_wait3A_112 = tpu.memref_slice %arg4[%dma_wait3A_110, %dma_wait3A_111] : memref<32768x2048xf32, #tpu.memory_space<hbm>> -> memref<16x2048xf32, #tpu.memory_space<hbm>>
    tpu.wait_dma2 semaphore(%arg12 : memref<!tpu.dma_semaphore, #tpu.memory_space<semaphore_mem>>) src(%arg6 : memref<16x2048xf32, #tpu.memory_space<vmem>>) dst(%dma_wait3A_112 : memref<16x2048xf32, #tpu.memory_space<hbm>>)
    %dma_start3A_113 = arith.constant 3 : i32
    %dma_start3A_114 = arith.constant 0 : i32
    %dma_start3A_115 = tpu.memref_slice %arg5[%dma_start3A_113, %dma_start3A_114] : memref<64x16xi32, #tpu.memory_space<vmem>> -> memref<1x16xi32, #tpu.memory_space<vmem>>
    %dma_start3A_116 = tpu.memref_squeeze %dma_start3A_115 : memref<1x16xi32, #tpu.memory_space<vmem>> -> memref<16xi32, #tpu.memory_space<vmem>>
    %dma_start3A_117 = arith.constant 0 : i32
    %dma_start3A_118 = arith.constant 0 : i32
    %dma_start3A_119 = tpu.memref_slice %arg3[%dma_start3A_117, %dma_start3A_118] : memref<65536x2048xf32, #tpu.memory_space<hbm>> -> memref<65536x2048xf32, #tpu.memory_space<hbm>>
    tpu.enqueue_indirect_dma source(%dma_start3A_119 : memref<65536x2048xf32, #tpu.memory_space<hbm>>) target(%arg6 : memref<16x2048xf32, #tpu.memory_space<vmem>>) offsets(%dma_start3A_116 : memref<16xi32, #tpu.memory_space<vmem>>) semaphore(%arg9 : memref<!tpu.dma_semaphore, #tpu.memory_space<semaphore_mem>>)
    %scan3A_120 = arith.constant 0 : i32
    %scan3A_121 = arith.constant 20 : i32
    %scan3A_122 = arith.addi %scan3A_120, %scan3A_121 : i32
    %scan3A_123 = arith.constant 1 : i32
    scf.for %scan3A_167 = %scan3A_120 to %scan3A_122 step %scan3A_123  : i32 {
      %mul3A_168 = arith.constant 3 : i32
      %mul3A_169 = arith.muli %scan3A_167, %mul3A_168 : i32
      %add3A_170 = arith.constant 2 : i32
      %add3A_171 = arith.addi %add3A_170, %mul3A_169 : i32
      %add3A_172 = arith.constant 0 : i32
      %add3A_173 = arith.addi %add3A_171, %add3A_172 : i32
      %dma_wait3A_174 = arith.constant 0 : i32
      %dma_wait3A_175 = arith.constant 0 : i32
      %dma_wait3A_176 = tpu.memref_slice %arg3[%dma_wait3A_174, %dma_wait3A_175] : memref<65536x2048xf32, #tpu.memory_space<hbm>> -> memref<16x2048xf32, #tpu.memory_space<hbm>>
      %dma_wait3A_177 = arith.constant 0 : i32
      %dma_wait3A_178 = arith.constant 0 : i32
      %dma_wait3A_179 = tpu.memref_slice %arg3[%dma_wait3A_177, %dma_wait3A_178] : memref<65536x2048xf32, #tpu.memory_space<hbm>> -> memref<16x2048xf32, #tpu.memory_space<hbm>>
      tpu.wait_dma2 semaphore(%arg11 : memref<!tpu.dma_semaphore, #tpu.memory_space<semaphore_mem>>) src(%dma_wait3A_179 : memref<16x2048xf32, #tpu.memory_space<hbm>>) dst(%arg8 : memref<16x2048xf32, #tpu.memory_space<vmem>>)
      %mul3A_180 = arith.constant 16 : i32
      %mul3A_181 = arith.muli %add3A_173, %mul3A_180 : i32
      %add3A_182 = arith.addi %mul3A_2, %mul3A_181 : i32
      %dma_start3A_183 = arith.constant 0 : i32
      %dma_start3A_184 = tpu.memref_slice %arg4[%add3A_182, %dma_start3A_183] : memref<32768x2048xf32, #tpu.memory_space<hbm>> -> memref<16x2048xf32, #tpu.memory_space<hbm>>
      %dma_start3A_185 = arith.constant 0 : i32
      %dma_start3A_186 = tpu.memref_slice %arg4[%add3A_182, %dma_start3A_185] : memref<32768x2048xf32, #tpu.memory_space<hbm>> -> memref<16x2048xf32, #tpu.memory_space<hbm>>
      tpu.enqueue_dma source(%arg8 : memref<16x2048xf32, #tpu.memory_space<vmem>>) target(%dma_start3A_186 : memref<16x2048xf32, #tpu.memory_space<hbm>>) target_semaphore(%arg14 : memref<!tpu.dma_semaphore, #tpu.memory_space<semaphore_mem>>)
      %dma_wait3A_187 = arith.constant 0 : i32
      %dma_wait3A_188 = arith.constant 0 : i32
      %dma_wait3A_189 = tpu.memref_slice %arg4[%dma_wait3A_187, %dma_wait3A_188] : memref<32768x2048xf32, #tpu.memory_space<hbm>> -> memref<16x2048xf32, #tpu.memory_space<hbm>>
      %dma_wait3A_190 = arith.constant 0 : i32
      %dma_wait3A_191 = arith.constant 0 : i32
      %dma_wait3A_192 = tpu.memref_slice %arg4[%dma_wait3A_190, %dma_wait3A_191] : memref<32768x2048xf32, #tpu.memory_space<hbm>> -> memref<16x2048xf32, #tpu.memory_space<hbm>>
      tpu.wait_dma2 semaphore(%arg13 : memref<!tpu.dma_semaphore, #tpu.memory_space<semaphore_mem>>) src(%arg7 : memref<16x2048xf32, #tpu.memory_space<vmem>>) dst(%dma_wait3A_192 : memref<16x2048xf32, #tpu.memory_space<hbm>>)
      %add3A_193 = arith.constant 2 : i32
      %add3A_194 = arith.addi %add3A_173, %add3A_193 : i32
      %dma_start3A_195 = arith.constant 0 : i32
      %dma_start3A_196 = tpu.memref_slice %arg5[%add3A_194, %dma_start3A_195] : memref<64x16xi32, #tpu.memory_space<vmem>> -> memref<1x16xi32, #tpu.memory_space<vmem>>
      %dma_start3A_197 = tpu.memref_squeeze %dma_start3A_196 : memref<1x16xi32, #tpu.memory_space<vmem>> -> memref<16xi32, #tpu.memory_space<vmem>>
      %dma_start3A_198 = arith.constant 0 : i32
      %dma_start3A_199 = arith.constant 0 : i32
      %dma_start3A_200 = tpu.memref_slice %arg3[%dma_start3A_198, %dma_start3A_199] : memref<65536x2048xf32, #tpu.memory_space<hbm>> -> memref<65536x2048xf32, #tpu.memory_space<hbm>>
      tpu.enqueue_indirect_dma source(%dma_start3A_200 : memref<65536x2048xf32, #tpu.memory_space<hbm>>) target(%arg7 : memref<16x2048xf32, #tpu.memory_space<vmem>>) offsets(%dma_start3A_197 : memref<16xi32, #tpu.memory_space<vmem>>) semaphore(%arg10 : memref<!tpu.dma_semaphore, #tpu.memory_space<semaphore_mem>>)
      %add3A_201 = arith.constant 1 : i32
      %add3A_202 = arith.addi %add3A_171, %add3A_201 : i32
      %dma_wait3A_203 = arith.constant 0 : i32
      %dma_wait3A_204 = arith.constant 0 : i32
      %dma_wait3A_205 = tpu.memref_slice %arg3[%dma_wait3A_203, %dma_wait3A_204] : memref<65536x2048xf32, #tpu.memory_space<hbm>> -> memref<16x2048xf32, #tpu.memory_space<hbm>>
      %dma_wait3A_206 = arith.constant 0 : i32
      %dma_wait3A_207 = arith.constant 0 : i32
      %dma_wait3A_208 = tpu.memref_slice %arg3[%dma_wait3A_206, %dma_wait3A_207] : memref<65536x2048xf32, #tpu.memory_space<hbm>> -> memref<16x2048xf32, #tpu.memory_space<hbm>>
      tpu.wait_dma2 semaphore(%arg9 : memref<!tpu.dma_semaphore, #tpu.memory_space<semaphore_mem>>) src(%dma_wait3A_208 : memref<16x2048xf32, #tpu.memory_space<hbm>>) dst(%arg6 : memref<16x2048xf32, #tpu.memory_space<vmem>>)
      %mul3A_209 = arith.constant 16 : i32
      %mul3A_210 = arith.muli %add3A_202, %mul3A_209 : i32
      %add3A_211 = arith.addi %mul3A_2, %mul3A_210 : i32
      %dma_start3A_212 = arith.constant 0 : i32
      %dma_start3A_213 = tpu.memref_slice %arg4[%add3A_211, %dma_start3A_212] : memref<32768x2048xf32, #tpu.memory_space<hbm>> -> memref<16x2048xf32, #tpu.memory_space<hbm>>
      %dma_start3A_214 = arith.constant 0 : i32
      %dma_start3A_215 = tpu.memref_slice %arg4[%add3A_211, %dma_start3A_214] : memref<32768x2048xf32, #tpu.memory_space<hbm>> -> memref<16x2048xf32, #tpu.memory_space<hbm>>
      tpu.enqueue_dma source(%arg6 : memref<16x2048xf32, #tpu.memory_space<vmem>>) target(%dma_start3A_215 : memref<16x2048xf32, #tpu.memory_space<hbm>>) target_semaphore(%arg12 : memref<!tpu.dma_semaphore, #tpu.memory_space<semaphore_mem>>)
      %dma_wait3A_216 = arith.constant 0 : i32
      %dma_wait3A_217 = arith.constant 0 : i32
      %dma_wait3A_218 = tpu.memref_slice %arg4[%dma_wait3A_216, %dma_wait3A_217] : memref<32768x2048xf32, #tpu.memory_space<hbm>> -> memref<16x2048xf32, #tpu.memory_space<hbm>>
      %dma_wait3A_219 = arith.constant 0 : i32
      %dma_wait3A_220 = arith.constant 0 : i32
      %dma_wait3A_221 = tpu.memref_slice %arg4[%dma_wait3A_219, %dma_wait3A_220] : memref<32768x2048xf32, #tpu.memory_space<hbm>> -> memref<16x2048xf32, #tpu.memory_space<hbm>>
      tpu.wait_dma2 semaphore(%arg14 : memref<!tpu.dma_semaphore, #tpu.memory_space<semaphore_mem>>) src(%arg8 : memref<16x2048xf32, #tpu.memory_space<vmem>>) dst(%dma_wait3A_221 : memref<16x2048xf32, #tpu.memory_space<hbm>>)
      %add3A_222 = arith.constant 2 : i32
      %add3A_223 = arith.addi %add3A_202, %add3A_222 : i32
      %dma_start3A_224 = arith.constant 0 : i32
      %dma_start3A_225 = tpu.memref_slice %arg5[%add3A_223, %dma_start3A_224] : memref<64x16xi32, #tpu.memory_space<vmem>> -> memref<1x16xi32, #tpu.memory_space<vmem>>
      %dma_start3A_226 = tpu.memref_squeeze %dma_start3A_225 : memref<1x16xi32, #tpu.memory_space<vmem>> -> memref<16xi32, #tpu.memory_space<vmem>>
      %dma_start3A_227 = arith.constant 0 : i32
      %dma_start3A_228 = arith.constant 0 : i32
      %dma_start3A_229 = tpu.memref_slice %arg3[%dma_start3A_227, %dma_start3A_228] : memref<65536x2048xf32, #tpu.memory_space<hbm>> -> memref<65536x2048xf32, #tpu.memory_space<hbm>>
      tpu.enqueue_indirect_dma source(%dma_start3A_229 : memref<65536x2048xf32, #tpu.memory_space<hbm>>) target(%arg8 : memref<16x2048xf32, #tpu.memory_space<vmem>>) offsets(%dma_start3A_226 : memref<16xi32, #tpu.memory_space<vmem>>) semaphore(%arg11 : memref<!tpu.dma_semaphore, #tpu.memory_space<semaphore_mem>>)
      %add3A_230 = arith.constant 2 : i32
      %add3A_231 = arith.addi %add3A_171, %add3A_230 : i32
      %dma_wait3A_232 = arith.constant 0 : i32
      %dma_wait3A_233 = arith.constant 0 : i32
      %dma_wait3A_234 = tpu.memref_slice %arg3[%dma_wait3A_232, %dma_wait3A_233] : memref<65536x2048xf32, #tpu.memory_space<hbm>> -> memref<16x2048xf32, #tpu.memory_space<hbm>>
      %dma_wait3A_235 = arith.constant 0 : i32
      %dma_wait3A_236 = arith.constant 0 : i32
      %dma_wait3A_237 = tpu.memref_slice %arg3[%dma_wait3A_235, %dma_wait3A_236] : memref<65536x2048xf32, #tpu.memory_space<hbm>> -> memref<16x2048xf32, #tpu.memory_space<hbm>>
      tpu.wait_dma2 semaphore(%arg10 : memref<!tpu.dma_semaphore, #tpu.memory_space<semaphore_mem>>) src(%dma_wait3A_237 : memref<16x2048xf32, #tpu.memory_space<hbm>>) dst(%arg7 : memref<16x2048xf32, #tpu.memory_space<vmem>>)
      %mul3A_238 = arith.constant 16 : i32
      %mul3A_239 = arith.muli %add3A_231, %mul3A_238 : i32
      %add3A_240 = arith.addi %mul3A_2, %mul3A_239 : i32
      %dma_start3A_241 = arith.constant 0 : i32
      %dma_start3A_242 = tpu.memref_slice %arg4[%add3A_240, %dma_start3A_241] : memref<32768x2048xf32, #tpu.memory_space<hbm>> -> memref<16x2048xf32, #tpu.memory_space<hbm>>
      %dma_start3A_243 = arith.constant 0 : i32
      %dma_start3A_244 = tpu.memref_slice %arg4[%add3A_240, %dma_start3A_243] : memref<32768x2048xf32, #tpu.memory_space<hbm>> -> memref<16x2048xf32, #tpu.memory_space<hbm>>
      tpu.enqueue_dma source(%arg7 : memref<16x2048xf32, #tpu.memory_space<vmem>>) target(%dma_start3A_244 : memref<16x2048xf32, #tpu.memory_space<hbm>>) target_semaphore(%arg13 : memref<!tpu.dma_semaphore, #tpu.memory_space<semaphore_mem>>)
      %dma_wait3A_245 = arith.constant 0 : i32
      %dma_wait3A_246 = arith.constant 0 : i32
      %dma_wait3A_247 = tpu.memref_slice %arg4[%dma_wait3A_245, %dma_wait3A_246] : memref<32768x2048xf32, #tpu.memory_space<hbm>> -> memref<16x2048xf32, #tpu.memory_space<hbm>>
      %dma_wait3A_248 = arith.constant 0 : i32
      %dma_wait3A_249 = arith.constant 0 : i32
      %dma_wait3A_250 = tpu.memref_slice %arg4[%dma_wait3A_248, %dma_wait3A_249] : memref<32768x2048xf32, #tpu.memory_space<hbm>> -> memref<16x2048xf32, #tpu.memory_space<hbm>>
      tpu.wait_dma2 semaphore(%arg12 : memref<!tpu.dma_semaphore, #tpu.memory_space<semaphore_mem>>) src(%arg6 : memref<16x2048xf32, #tpu.memory_space<vmem>>) dst(%dma_wait3A_250 : memref<16x2048xf32, #tpu.memory_space<hbm>>)
      %add3A_251 = arith.constant 2 : i32
      %add3A_252 = arith.addi %add3A_231, %add3A_251 : i32
      %dma_start3A_253 = arith.constant 0 : i32
      %dma_start3A_254 = tpu.memref_slice %arg5[%add3A_252, %dma_start3A_253] : memref<64x16xi32, #tpu.memory_space<vmem>> -> memref<1x16xi32, #tpu.memory_space<vmem>>
      %dma_start3A_255 = tpu.memref_squeeze %dma_start3A_254 : memref<1x16xi32, #tpu.memory_space<vmem>> -> memref<16xi32, #tpu.memory_space<vmem>>
      %dma_start3A_256 = arith.constant 0 : i32
      %dma_start3A_257 = arith.constant 0 : i32
      %dma_start3A_258 = tpu.memref_slice %arg3[%dma_start3A_256, %dma_start3A_257] : memref<65536x2048xf32, #tpu.memory_space<hbm>> -> memref<65536x2048xf32, #tpu.memory_space<hbm>>
      tpu.enqueue_indirect_dma source(%dma_start3A_258 : memref<65536x2048xf32, #tpu.memory_space<hbm>>) target(%arg6 : memref<16x2048xf32, #tpu.memory_space<vmem>>) offsets(%dma_start3A_255 : memref<16xi32, #tpu.memory_space<vmem>>) semaphore(%arg9 : memref<!tpu.dma_semaphore, #tpu.memory_space<semaphore_mem>>)
    }
    %scan3A_124 = arith.constant 20 : i32
    %dma_wait3A_125 = arith.constant 0 : i32
    %dma_wait3A_126 = arith.constant 0 : i32
    %dma_wait3A_127 = tpu.memref_slice %arg3[%dma_wait3A_125, %dma_wait3A_126] : memref<65536x2048xf32, #tpu.memory_space<hbm>> -> memref<16x2048xf32, #tpu.memory_space<hbm>>
    %dma_wait3A_128 = arith.constant 0 : i32
    %dma_wait3A_129 = arith.constant 0 : i32
    %dma_wait3A_130 = tpu.memref_slice %arg3[%dma_wait3A_128, %dma_wait3A_129] : memref<65536x2048xf32, #tpu.memory_space<hbm>> -> memref<16x2048xf32, #tpu.memory_space<hbm>>
    tpu.wait_dma2 semaphore(%arg11 : memref<!tpu.dma_semaphore, #tpu.memory_space<semaphore_mem>>) src(%dma_wait3A_130 : memref<16x2048xf32, #tpu.memory_space<hbm>>) dst(%arg8 : memref<16x2048xf32, #tpu.memory_space<vmem>>)
    %add3A_131 = arith.constant 992 : i32
    %add3A_132 = arith.addi %mul3A_2, %add3A_131 : i32
    %dma_start3A_133 = arith.constant 0 : i32
    %dma_start3A_134 = tpu.memref_slice %arg4[%add3A_132, %dma_start3A_133] : memref<32768x2048xf32, #tpu.memory_space<hbm>> -> memref<16x2048xf32, #tpu.memory_space<hbm>>
    %dma_start3A_135 = arith.constant 0 : i32
    %dma_start3A_136 = tpu.memref_slice %arg4[%add3A_132, %dma_start3A_135] : memref<32768x2048xf32, #tpu.memory_space<hbm>> -> memref<16x2048xf32, #tpu.memory_space<hbm>>
    tpu.enqueue_dma source(%arg8 : memref<16x2048xf32, #tpu.memory_space<vmem>>) target(%dma_start3A_136 : memref<16x2048xf32, #tpu.memory_space<hbm>>) target_semaphore(%arg14 : memref<!tpu.dma_semaphore, #tpu.memory_space<semaphore_mem>>)
    %dma_wait3A_137 = arith.constant 0 : i32
    %dma_wait3A_138 = arith.constant 0 : i32
    %dma_wait3A_139 = tpu.memref_slice %arg4[%dma_wait3A_137, %dma_wait3A_138] : memref<32768x2048xf32, #tpu.memory_space<hbm>> -> memref<16x2048xf32, #tpu.memory_space<hbm>>
    %dma_wait3A_140 = arith.constant 0 : i32
    %dma_wait3A_141 = arith.constant 0 : i32
    %dma_wait3A_142 = tpu.memref_slice %arg4[%dma_wait3A_140, %dma_wait3A_141] : memref<32768x2048xf32, #tpu.memory_space<hbm>> -> memref<16x2048xf32, #tpu.memory_space<hbm>>
    tpu.wait_dma2 semaphore(%arg13 : memref<!tpu.dma_semaphore, #tpu.memory_space<semaphore_mem>>) src(%arg7 : memref<16x2048xf32, #tpu.memory_space<vmem>>) dst(%dma_wait3A_142 : memref<16x2048xf32, #tpu.memory_space<hbm>>)
    %dma_wait3A_143 = arith.constant 0 : i32
    %dma_wait3A_144 = arith.constant 0 : i32
    %dma_wait3A_145 = tpu.memref_slice %arg3[%dma_wait3A_143, %dma_wait3A_144] : memref<65536x2048xf32, #tpu.memory_space<hbm>> -> memref<16x2048xf32, #tpu.memory_space<hbm>>
    %dma_wait3A_146 = arith.constant 0 : i32
    %dma_wait3A_147 = arith.constant 0 : i32
    %dma_wait3A_148 = tpu.memref_slice %arg3[%dma_wait3A_146, %dma_wait3A_147] : memref<65536x2048xf32, #tpu.memory_space<hbm>> -> memref<16x2048xf32, #tpu.memory_space<hbm>>
    tpu.wait_dma2 semaphore(%arg9 : memref<!tpu.dma_semaphore, #tpu.memory_space<semaphore_mem>>) src(%dma_wait3A_148 : memref<16x2048xf32, #tpu.memory_space<hbm>>) dst(%arg6 : memref<16x2048xf32, #tpu.memory_space<vmem>>)
    %add3A_149 = arith.constant 1008 : i32
    %add3A_150 = arith.addi %mul3A_2, %add3A_149 : i32
    %dma_start3A_151 = arith.constant 0 : i32
    %dma_start3A_152 = tpu.memref_slice %arg4[%add3A_150, %dma_start3A_151] : memref<32768x2048xf32, #tpu.memory_space<hbm>> -> memref<16x2048xf32, #tpu.memory_space<hbm>>
    %dma_start3A_153 = arith.constant 0 : i32
    %dma_start3A_154 = tpu.memref_slice %arg4[%add3A_150, %dma_start3A_153] : memref<32768x2048xf32, #tpu.memory_space<hbm>> -> memref<16x2048xf32, #tpu.memory_space<hbm>>
    tpu.enqueue_dma source(%arg6 : memref<16x2048xf32, #tpu.memory_space<vmem>>) target(%dma_start3A_154 : memref<16x2048xf32, #tpu.memory_space<hbm>>) target_semaphore(%arg12 : memref<!tpu.dma_semaphore, #tpu.memory_space<semaphore_mem>>)
    %dma_wait3A_155 = arith.constant 0 : i32
    %dma_wait3A_156 = arith.constant 0 : i32
    %dma_wait3A_157 = tpu.memref_slice %arg4[%dma_wait3A_155, %dma_wait3A_156] : memref<32768x2048xf32, #tpu.memory_space<hbm>> -> memref<16x2048xf32, #tpu.memory_space<hbm>>
    %dma_wait3A_158 = arith.constant 0 : i32
    %dma_wait3A_159 = arith.constant 0 : i32
    %dma_wait3A_160 = tpu.memref_slice %arg4[%dma_wait3A_158, %dma_wait3A_159] : memref<32768x2048xf32, #tpu.memory_space<hbm>> -> memref<16x2048xf32, #tpu.memory_space<hbm>>
    tpu.wait_dma2 semaphore(%arg14 : memref<!tpu.dma_semaphore, #tpu.memory_space<semaphore_mem>>) src(%arg8 : memref<16x2048xf32, #tpu.memory_space<vmem>>) dst(%dma_wait3A_160 : memref<16x2048xf32, #tpu.memory_space<hbm>>)
    %dma_wait3A_161 = arith.constant 0 : i32
    %dma_wait3A_162 = arith.constant 0 : i32
    %dma_wait3A_163 = tpu.memref_slice %arg4[%dma_wait3A_161, %dma_wait3A_162] : memref<32768x2048xf32, #tpu.memory_space<hbm>> -> memref<16x2048xf32, #tpu.memory_space<hbm>>
    %dma_wait3A_164 = arith.constant 0 : i32
    %dma_wait3A_165 = arith.constant 0 : i32
    %dma_wait3A_166 = tpu.memref_slice %arg4[%dma_wait3A_164, %dma_wait3A_165] : memref<32768x2048xf32, #tpu.memory_space<hbm>> -> memref<16x2048xf32, #tpu.memory_space<hbm>>
    tpu.wait_dma2 semaphore(%arg12 : memref<!tpu.dma_semaphore, #tpu.memory_space<semaphore_mem>>) src(%arg6 : memref<16x2048xf32, #tpu.memory_space<vmem>>) dst(%dma_wait3A_166 : memref<16x2048xf32, #tpu.memory_space<hbm>>)
    return
  }
}

</mosaic_0001>

<sc_bundles>
// kernel: kernel.3.cloned.1.call-start
scs
__scs_entry_jumppad:
0x0: {  	(pc) =	sbr.rel $0x88, $3  }
0x1: {  	(tag) =	ssettag $0x0;
	lr =	simm.s32 $0x1  }
0x2: {  	[smem:$0x3F9F] =	sst lr;
	_ =	strace $0xD0000000  }
0x3: {  	_ = 	snop  }
0x4: {  	_ = 	snop  }
0x5: {  	_ = 	snop  }
0x6: {  	_ = 	snop  }
0x7: {  	_ = 	snop  }
__scs_overlays_trampoline_lowered:
0x8: {  	[smem:$0x3FAE] =	sst s0  }
0x9: {  	[smem:$0x3FAF] =	sst s1  }
0xa: {  	[smem:$0x3FB0] =	sst s2  }
0xb: {  	[smem:$0x3FB1] =	sst s3  }
0xc: {  	[smem:$0x3FB2] =	sst s4  }
0xd: {  	[smem:$0x3FB3] =	sst s5  }
0xe: {  	[smem:$0x3FB4] =	sst s6  }
0xf: {  	[smem:$0x3FB5] =	sst s7  }
0x10: {  	[smem:$0x3FB6] =	sst s8  }
0x11: {  	[smem:$0x3FB7] =	sst s9;
	s0 =	simm.s32 @!p0 $0x0  }
0x12: {  	s1 =	sld [smem:$0x3F9D];
	s0 =	simm.s32 @p0 $0x1  }
0x13: {  	[smem:$0x3FB8] =	sst s0;
	s0 =	simm.s32 @!p1 $0x0  }
0x14: {  	s2 =	sld [smem:$0x3F9C];
	s0 =	simm.s32 @p1 $0x1  }
0x15: {  	[smem:$0x3FB9] =	sst s0;
	s0 =	simm.s32 @!p2 $0x0  }
0x16: {  	s3 =	sld [smem:$0x3FDB];
	s0 =	simm.s32 @p2 $0x1  }
0x17: {  	s4 =	simm.s32 $0x1BF5;
	[smem:$0x3FBB] =	sst s0  }
0x18: {  	s0 =	sld [smem:$0x3F9E];
	_ =	swait.ge [sflag:s4], $0x0  }
0x19: {  	s7 =	sld [smem:$0x3F9F]  }
0x1a: {  	s8 =	sadd.s32 $0xFFFFE003, lr  }
0x1b: {  	s9 =	sadd.s32 $0xFFFFFEF7, lr;
	s5 =	simm.s32 $0xFFFFFFFF;
	p2 =	slt.u32 s8, $0xFFFFF086  }
0x1c: {  	p1 =	slt.u32 s9, $0xF7A;
	s5 =	simm.s32 @!p2 $0x0  }
0x1d: {  	s5 =	simm.s32 @p1 $0x1;
	p0 =	seq.s32 s7, s2  }
0x1e: {  	s7 =	smul.u32 @!p0 $0xF7A, s2;
	p2 =	seq.s32 @!p0 s5, $0x0  }
0x1f: {  	s9 =	smul.u32 $0xF7A, s1;
	s8 =	simm.s32 @!p0 $0x1BF5;
	p2 =	por !p2, p0  }
0x20: {  	[sflag:s8] =	ssyncset.s32 @!p0 $0xFFFFF086;
	s6 =	sadd.s32 @!p0 s3, s7;
	s7 =	simm.s32 @!p0 $0x108  }
0x21: {  	s3 =	sadd.s32 s3, s9;
	s6 =	sadd.s32 @!p0 $0x88, s6;
	s7 =	simm.s32 @p2 $0x1082  }
0x22: {  	[simem:s7], [sflag:s8] =	dma.local @!p0 [hbm:s6], $0xF7A  }
0x23: {  	s9 =	sor.u32 $0xD0000000, s2;
	s6 =	simm.s32 $0x108;
	_ =	swait.ge @!p0 [sflag:s8], $0x0  }
0x24: {  	s3 =	sadd.s32 $0x88, s3;
	s6 =	simm.s32 @!p1 $0x1082;
	[sflag:s4] =	ssyncset.s32 $0xFFFFF086  }
0x25: {  	[simem:s6], [sflag:s4] =	dma.local [hbm:s3], $0xF7A  }
0x26: {  	[smem:$0x3F9F] =	sst s1;
	(tag) =	ssettag s2;
	_ =	strace s9  }
0x27: {  	s1 =	sld [smem:$0x3FAF]  }
0x28: {  	s2 =	sld [smem:$0x3FB0]  }
0x29: {  	s4 =	sld [smem:$0x3FB2]  }
0x2a: {  	p0 =	seq.s32 s5, $0x0;
	s5 =	sld [smem:$0x3FB3]  }
0x2b: {  	s6 =	sld [smem:$0x3FB4]  }
0x2c: {  	s7 =	sld [smem:$0x3FB5]  }
0x2d: {  	s3 =	simm.s32 $0x108;
	s8 =	sld [smem:$0x3FB6]  }
0x2e: {  	s3 =	simm.s32 @!p0 $0x1082;
	s9 =	sld [smem:$0x3FB7]  }
0x2f: {  	lr =	sadd.s32 s0, s3;
	s0 =	sld [smem:$0x3FAE]  }
0x30: {  	s3 =	sld [smem:$0x3FB1]  }
0x31: {  	[smem:$0x3FBA] =	sst s10  }
0x32: {  	s10 =	sld [smem:$0x3FB8];
	_ =	sdelay $0x3  }
0x33: {  	p0 =	seq.s32 s10, $0x1;
	s10 =	sld [smem:$0x3FBA];
	_ =	sdelay $0x3  }
0x34: {  	[smem:$0x3FBA] =	sst s10  }
0x35: {  	s10 =	sld [smem:$0x3FB9];
	_ =	sdelay $0x3  }
0x36: {  	p1 =	seq.s32 s10, $0x1;
	s10 =	sld [smem:$0x3FBA];
	_ =	sdelay $0x3  }
0x37: {  	[smem:$0x3FBA] =	sst s10  }
0x38: {  	s10 =	sld [smem:$0x3FBB]  }
0x39: {  	_ = 	snop;
	(pc) =	sbr.ind lr, $3  }
0x3a: {  	_ = 	snop  }
0x3b: {  	_ = 	snop  }
0x3c: {  	p2 =	seq.s32 s10, $0x1;
	s10 =	sld [smem:$0x3FBA]  }
0x3d: {  	_ =	shalt  }
0x3e: {  	_ =	shalt  }
0x3f: {  	_ =	shalt  }
0x40: {  	_ =	shalt  }
0x41: {  	_ =	shalt  }
0x42: {  	_ =	shalt  }
0x43: {  	_ =	shalt  }
0x44: {  	_ =	shalt  }
0x45: {  	_ =	shalt  }
0x46: {  	_ =	shalt  }
0x47: {  	_ =	shalt  }
0x48: {  	_ =	shalt  }
0x49: {  	_ =	shalt  }
0x4a: {  	_ =	shalt  }
0x4b: {  	_ =	shalt  }
0x4c: {  	_ =	shalt  }
0x4d: {  	_ =	shalt  }
0x4e: {  	_ =	shalt  }
0x4f: {  	_ =	shalt  }
0x50: {  	_ =	shalt  }
0x51: {  	_ =	shalt  }
0x52: {  	_ =	shalt  }
0x53: {  	_ =	shalt  }
0x54: {  	_ =	shalt  }
0x55: {  	_ =	shalt  }
0x56: {  	_ =	shalt  }
0x57: {  	_ =	shalt  }
0x58: {  	_ =	shalt  }
0x59: {  	_ =	shalt  }
0x5a: {  	_ =	shalt  }
0x5b: {  	_ =	shalt  }
0x5c: {  	_ =	shalt  }
0x5d: {  	_ =	shalt  }
0x5e: {  	_ =	shalt  }
0x5f: {  	_ =	shalt  }
0x60: {  	_ =	shalt  }
0x61: {  	_ =	shalt  }
0x62: {  	_ =	shalt  }
0x63: {  	_ =	shalt  }
0x64: {  	_ =	shalt  }
0x65: {  	_ =	shalt  }
0x66: {  	_ =	shalt  }
0x67: {  	_ =	shalt  }
0x68: {  	_ =	shalt  }
0x69: {  	_ =	shalt  }
0x6a: {  	_ =	shalt  }
0x6b: {  	_ =	shalt  }
0x6c: {  	_ =	shalt  }
0x6d: {  	_ =	shalt  }
0x6e: {  	_ =	shalt  }
0x6f: {  	_ =	shalt  }
0x70: {  	_ =	shalt  }
0x71: {  	_ =	shalt  }
0x72: {  	_ =	shalt  }
0x73: {  	_ =	shalt  }
0x74: {  	_ =	shalt  }
0x75: {  	_ =	shalt  }
0x76: {  	_ =	shalt  }
0x77: {  	_ =	shalt  }
0x78: {  	_ =	shalt  }
0x79: {  	_ =	shalt  }
0x7a: {  	_ =	shalt  }
0x7b: {  	_ =	shalt  }
0x7c: {  	_ =	shalt  }
0x7d: {  	_ =	shalt  }
0x7e: {  	_ =	shalt  }
0x7f: {  	_ =	shalt  }
0x80: {  	_ =	shalt  }
0x81: {  	_ =	shalt  }
0x82: {  	_ =	shalt  }
0x83: {  	_ =	shalt  }
0x84: {  	_ =	shalt  }
0x85: {  	_ =	shalt  }
0x86: {  	_ =	shalt  }
0x87: {  	_ =	shalt  }
.Lfunc_end0:
.L_simem_size_0:
called_computation_lowered:
.L_overlay_start_0:
0x88: {  	s2 =	sld [smem:$0x3FD9]  }
0x89: {  	s3 =	sld [smem:$0x3FFE];
	_ =	sdelay $0x1  }
0x8a: {  	s1 =	srdreg.scid  }
0x8b: {  	s0 =	sand.u32 $0x1, s1  }
0x8c: {  	s17 =	sshll.u32 s0, $0xA;
	s2 =	sadd.s32 s3, s2  }
0x8d: {  	s2 =	sadd.s32 s2, s17  }
0x8e: {  	[smem:$0x3FC6] =	sst s2  }
0x8f: {  	_ = 	snop  }
0x90: {  	s2 =	sld [smem:$0x3FC8]  }
0x91: {  	s18 =	sld [smem:$0x3FD0];
	(tm) =	ssettm $0x1  }
0x92: {  	s4 =	sld [smem:$0x3FFB];
	_ =	sdelay $0x3  }
0x93: {  	_ =	strace s4  }
0x94: {  	s4 =	sld [smem:$0x3FFC];
	_ =	sdelay $0x3  }
0x95: {  	_ =	strace s4  }
0x96: {  	s4 =	sld [smem:$0x3FFD];
	_ =	sdelay $0x3  }
0x97: {  	_ =	strace s4  }
0x98: {  	_ =	strace $0x8FFFFFFF  }
0x99: {  	s19 =	sld [smem:$0x3FDB];
	_ =	sdelay $0x1  }
0x9a: {  	s5 =	simm.s32 $_scs_section_size  }
0x9b: {  	s6 =	simm.s32 $_size__tile_overlayer_lowered;
	s7 =	simm.s32 $_tile_overlayer_lowered  }
0x9c: {  	s22 =	simm.s32 $0x1BFF;
	s21 =	sshll.u32 s7, $0x1;
	s4 =	sadd.s32 s5, s19  }
0x9d: {  	s8 =	simm.s32 $0x0;
	s20 =	sshll.u32 s6, $0x1;
	s6 =	sadd.s32 s21, s4  }
0x9e: {  	[timem:s8], [sflag:s22] =	dma.local [hbm:s6], s20  }
0x9f: {  	_ =	swait.ge [sflag:s22], s20  }
0xa0: {  	s5 =	ssub.s32 $0x0, s20;
	[sflag:s22] =	ssyncset.done $0x0  }
0xa1: {  	[sflag:s22] =	ssyncadd.s32 s5;
	_ =	sdelay $0x1  }
0xa2: {  	s23 =	simm.s32 $0x1B8B  }
0xa3: {  	_ =	swait.ge [sflag:s23], $0x1  }
0xa4: {  	[sflag:s23] =	ssyncset.done $0x0  }
0xa5: {  	s25 =	simm.s32 $0x1B8E;
	s24 =	sld [smem:$0x3FFE];
	[sflag:s23] =	ssyncadd.s32 $0xFFFFFFFF  }
0xa6: {  	s26 =	simm.s32 $execute0_lowered;
	[smem:$0x3FD2] =	sst s25  }
0xa7: {  	s6 =	sshll.u32 s26, $0x1;
	_ =	strace $0x80000046;
	[dreg:$0x1] =	wrdreg $0xFFFFFFFF  }
0xa8: {  	s28 =	simm.s32 $_size_execute0_lowered;
	s4 =	sadd.s32 s4, s6;
	[dreg:$0x0] =	wrdreg $0x0  }
0xa9: {  	s6 =	sshll.u32 s28, $0x1;
	[dreg:$0x2] =	wrdreg s4  }
0xaa: {  	[dreg:$0x3] =	wrdreg s6  }
0xab: {  	[dreg:$0x4] =	wrdreg $0xC0  }
0xac: {  	_ =	task [dreg:s8], $0x5FFFF  }
0xad: {  	[dreg:$0x1] =	wrdreg $0xFFFFFFFF  }
0xae: {  	[dreg:$0x0] =	wrdreg $0x60  }
0xaf: {  	[dreg:$0x2] =	wrdreg s24  }
0xb0: {  	[dreg:$0x3] =	wrdreg s2  }
0xb1: {  	[dreg:$0x4] =	wrdreg s18  }
0xb2: {  	[dreg:$0x5] =	wrdreg $0x9  }
0xb3: {  	_ =	task.clear_ibuf [dreg:s8], $0x6FFFF;
	_ =	strace $0x90000046  }
0xb4: {  	s29 =	simm.s32 $0x9;
	_ =	strace $0x80000048  }
0xb5: {  	_ =	swait.ge [sflag:s29], $0x1  }
0xb6: {  	[sflag:s29] =	ssyncadd.s32 $0xFFFFFFFF  }
0xb7: {  	_ =	strace $0x90000048  }
0xb8: {  	_ =	sfence  }
0xb9: {  	s30 =	sld [smem:$0x0];
	_ =	sdelay $0x2  }
0xba: {  	s31 =	sshll.u32 s1, $0xD;
	s1 =	sshrl.u32 s1, $0x2  }
0xbb: {  	s3 =	sand.u32 $0x4000, s31;
	s1 =	sadd.s32 s1, s30  }
0xbc: {  	s0 =	sor.u32 s3, s0;
	s1 =	sshll.u32 s1, $0x11  }
0xbd: {  	s0 =	sor.u32 s1, s0  }
0xbe: {  	s0 =	sadd.s32 $0x8F2B, s0  }
0xbf: {  	[sflag:s0] =	ssyncadd.remote.s32 $0x1  }
0xc0: {  	_ =	sfence.sel $0xFFFF  }
0xc1: {  	[dreg:$0x0] =	wrdreg $0xFFFFFFFF;
	(pc) =	sbr.abs _section_cstart, $3  }
0xc2: {  	[dreg:$0x1] =	wrdreg $0xFFFFFFFF  }
0xc3: {  	_ =	task.clear_ibuf [dreg:s8], $0x2FFFF;
	_ =	strace $0x9FFFFFFF  }
0xc4: {  	(tm) =	ssettm $0x7FFFFFFF  }
0xc5: {  	_ =	shalt  }
tec
execute0_lowered:
.L_overlay_start_1:
0x0: {  	(tag) =	ssettag $0x1  }
0x1: {  	s0 =	rddreg [dreg:$0x0]  }
0x2: {  	s2 =	rddreg [dreg:$0x1]  }
0x3: {  	s1 =	rddreg [dreg:$0x2];
	s3 =	srdreg.scid  }
0x4: {  	s13 =	stileid.u32;
	s16 =	simm.s32 $0x2000;
	s19 =	simm.s32 $0x2800  }
0x5: {  	s30 =	simm.s32 $0x3000;
	s29 =	simm.s32 $0x3800;
	s31 =	simm.s32 $0x7000  }
0x6: {  	s18 =	simm.s32 $0x8000;
	s15 =	simm.s32 $0x4;
	s28 =	simm.s32 $0x5  }
0x7: {  	s17 =	simm.s32 $0x0;
	s4 =	sand.u32 $0x1, s3;
	s5 =	sshll.u32 s13, $0x1  }
0x8: {  	s3 =	simm.s32 $0x0;
	s8 =	sadd.s32 $0x400, s2;
	s10 =	sadd.s32 $0x600, s2  }
0x9: {  	s12 =	sadd.s32 $0x700, s2;
	s22 =	sshll.u32 s13, $0x13;
	s13 =	simm.s32 $0x8800  }
0xa: {  	s9 =	sor.u32 s4, s5;
	s20 =	ssub.s32 $0x2, s4;
	[smem:$0x7FF] =	sst s3  }
0xb: {  	s5 =	sadd.s32 $0x100, s2;
	s24 =	sshll.u32 s4, $0x12;
	s4 =	simm.s32 $0x6800  }
0xc: {  	s6 =	sshll.u32 s9, $0xA;
	s7 =	sshrl.u32 s20, $0x1;
	_ =	strace $0x80000047  }
0xd: {  	s21 =	sshll.u32 s9, $0x12;
	s9 =	sadd.s32 $0x500, s2;
	[dreg:$0xb] =	wrdreg s17  }
0xe: {  	s0 =	sadd.s32 s6, s0;
	s11 =	ssub.s32 s20, s7;
	s14 =	sadd.s32 s1, s21  }
0xf: {  	s6 =	sadd.s32 $0x200, s2;
	s0 =	sadd.s32 $0x400, s0;
	[dreg:$0x6] =	wrdreg s14  }
0x10: {  	s7 =	sadd.s32 $0x300, s2;
	s23 =	sadd.s32 $0x3E000, s14;
	[dreg:$0x5] =	wrdreg s0  }
0x11: {  	s20 =	simm.s32 $0x4000;
	s25 =	sadd.s32 $0x3F000, s14;
	[dreg:$0x8] =	wrdreg s23  }
0x12: {  	s21 =	simm.s32 $0x5000;
	s26 =	smax.u32 s11, $0x1;
	[dreg:$0x9] =	wrdreg s25  }
0x13: {  	s11 =	simm.s32 $0x6;
	s0 =	sadd.s32 $0x1000, s14;
	[dreg:$0xa] =	wrdreg s26  }
0x14: {  	v4 =	vlaneseq.u32;
	s23 =	simm.s32 $0x12000;
	s14 =	simm.s32 $0x1;
	s25 =	simm.s32 $0x2  }
0x15: {  	v0 =	vmul.u32 $0x800, v4;
	s26 =	simm.s32 $0x3;
	[dreg:$0x7] =	wrdreg s0;
	s0 =	sadd.s32 s22, s1  }
0x16: {  	vm0 =	vmmov $0xffff;
	v2 =	vand.u32 $0x7, v4;
	v3 =	vshrl.u32 v4, $0x3;
	s1 =	simm.s32 $0x5800;
	s22 =	simm.s32 $0x6000;
	s0 =	sadd.s32 s24, s0  }
0x17: {  	v4 =	vor.u32 $0x8, v4;
	v3 =	vmul.u32 $0x8, v3;
	v1 =	vor.u32 $0x8000, v0;
	s24 =	simm.s32 $0x7800;
	[dreg:$0x4] =	wrdreg s0;
	s0 =	simm.s32 $0x4800  }
.LBB2_1:
0x18: {  	s17 =	rddreg [dreg:$0x5]  }
0x19: {  	[tilespmem:s3], [sflag:$0x7] =	stream.linear.gather [hbm4b:s17+s3], $0x2000, $0x38;
	[tilespmem:$0x1A000] =	vst v63  }
0x1a: {  	s17 =	simm.s32 $0x7  }
0x1b: {  	_ =	swait.ge [sflag:s17], $0x2000  }
0x1c: {  	[sflag:s17] =	ssyncset.done $0x0  }
0x1d: {  	[sflag:s17] =	ssyncadd.s32 $0xFFFFE000  }
0x1e: {  	v5 =	vld [tilespmem:$0x0];
	_ =	sdelay $0x4  }
0x1f: {  	v6 =	vadd.s32 v0, v5  }
0x20: {  	v7 =	vshll.u32 v6, $0x4  }
0x21: {  	v8 =	vld [tilespmem:$0x80];
	v5 =	vand.u32 $0x7, v5;
	v7 =	vand.u32 $0xFFFFFF80, v7  }
0x22: {  	v9 =	vld [tilespmem:$0x100];
	v5 =	vor.u32 v5, v7  }
0x23: {  	v7 =	vld [tilespmem:$0x180];
	v10 =	vperm.xlane v5, v2;
	_ =	sdelay $0x1  }
0x24: {  	v10 =	vadd.s32 v3, v10  }
0x25: {  	[tilespmem:$0x0] =	vst v6;
	v6 =	vadd.s32 v1, v8  }
0x26: {  	[tilespmem:$0x80] =	vst v6;
	v6 =	vadd.s32 v0, v9  }
0x27: {  	[tilespmem:$0x100] =	vst v6;
	v6 =	vadd.s32 v1, v7  }
0x28: {  	[tilespmem:$0x180] =	vst v6  }
0x29: {  	[tilespmem:s16], [sflag:$0x1] =	stream.indirect_vreg.gather [hbm4b:s2+s3], $0x80, v10, vm0, $0xb8;
	[tilespmem:$0x1A000] =	vst v63  }
0x2a: {  	_ = 	snop  }
0x2b: {  	[tilespmem:s19], [sflag:$0x1] =	stream.indirect_vreg.gather [hbm4b:s5+s3], $0x80, v10, vm0, $0xb8;
	[tilespmem:$0x1A000] =	vst v63  }
0x2c: {  	_ = 	snop  }
0x2d: {  	[tilespmem:s30], [sflag:$0x1] =	stream.indirect_vreg.gather [hbm4b:s6+s3], $0x80, v10, vm0, $0xb8;
	[tilespmem:$0x1A000] =	vst v63  }
0x2e: {  	_ = 	snop  }
0x2f: {  	[tilespmem:s29], [sflag:$0x1] =	stream.indirect_vreg.gather [hbm4b:s7+s3], $0x80, v10, vm0, $0xb8;
	[tilespmem:$0x1A000] =	vst v63  }
0x30: {  	_ = 	snop  }
0x31: {  	[tilespmem:s20], [sflag:$0x1] =	stream.indirect_vreg.gather [hbm4b:s8+s3], $0x80, v10, vm0, $0xb8;
	[tilespmem:$0x1A000] =	vst v63  }
0x32: {  	v5 =	vperm.xlane v5, v4  }
0x33: {  	[tilespmem:s0], [sflag:$0x1] =	stream.indirect_vreg.gather [hbm4b:s9+s3], $0x80, v10, vm0, $0xb8;
	[tilespmem:$0x1A000] =	vst v63  }
0x34: {  	v5 =	vadd.s32 v3, v5  }
0x35: {  	[tilespmem:s21], [sflag:$0x1] =	stream.indirect_vreg.gather [hbm4b:s10+s3], $0x80, v10, vm0, $0xb8;
	[tilespmem:$0x1A000] =	vst v63  }
0x36: {  	_ = 	snop  }
0x37: {  	[tilespmem:s1], [sflag:$0x1] =	stream.indirect_vreg.gather [hbm4b:s12+s3], $0x80, v10, vm0, $0xb8;
	[tilespmem:$0x1A000] =	vst v63  }
0x38: {  	_ = 	snop  }
0x39: {  	[tilespmem:s22], [sflag:$0x1] =	stream.indirect_vreg.gather [hbm4b:s2+s3], $0x80, v5, vm0, $0xb8;
	[tilespmem:$0x1A000] =	vst v63  }
0x3a: {  	_ = 	snop  }
0x3b: {  	[tilespmem:s4], [sflag:$0x1] =	stream.indirect_vreg.gather [hbm4b:s5+s3], $0x80, v5, vm0, $0xb8;
	[tilespmem:$0x1A000] =	vst v63  }
0x3c: {  	_ = 	snop  }
0x3d: {  	[tilespmem:s31], [sflag:$0x1] =	stream.indirect_vreg.gather [hbm4b:s6+s3], $0x80, v5, vm0, $0xb8;
	[tilespmem:$0x1A000] =	vst v63  }
0x3e: {  	_ = 	snop  }
0x3f: {  	[tilespmem:s24], [sflag:$0x1] =	stream.indirect_vreg.gather [hbm4b:s7+s3], $0x80, v5, vm0, $0xb8;
	[tilespmem:$0x1A000] =	vst v63  }
0x40: {  	_ = 	snop  }
0x41: {  	[tilespmem:s18], [sflag:$0x1] =	stream.indirect_vreg.gather [hbm4b:s8+s3], $0x80, v5, vm0, $0xb8;
	[tilespmem:$0x1A000] =	vst v63  }
0x42: {  	_ = 	snop  }
0x43: {  	[tilespmem:s13], [sflag:$0x1] =	stream.indirect_vreg.gather [hbm4b:s9+s3], $0x80, v5, vm0, $0xb8;
	[tilespmem:$0x1A000] =	vst v63  }
0x44: {  	s17 =	simm.s32 $0x9000  }
0x45: {  	[tilespmem:s17], [sflag:$0x1] =	stream.indirect_vreg.gather [hbm4b:s10+s3], $0x80, v5, vm0, $0xb8;
	[tilespmem:$0x1A000] =	vst v63  }
0x46: {  	s18 =	simm.s32 $0x9800  }
0x47: {  	[tilespmem:s18], [sflag:$0x1] =	stream.indirect_vreg.gather [hbm4b:s12+s3], $0x80, v5, vm0, $0xb8;
	[tilespmem:$0x1A000] =	vst v63  }
0x48: {  	v5 =	vld [tilespmem:$0x80];
	_ =	sdelay $0x4  }
0x49: {  	v6 =	vshll.u32 v5, $0x4  }
0x4a: {  	v5 =	vand.u32 $0x7, v5;
	v6 =	vand.u32 $0xFFFFFF80, v6  }
0x4b: {  	v5 =	vor.u32 v5, v6  }
0x4c: {  	v6 =	vperm.xlane v5, v2;
	_ =	sdelay $0x1  }
0x4d: {  	v6 =	vadd.s32 v3, v6;
	_ =	sdelay $0x3  }
0x4e: {  	s20 =	simm.s32 $0xA000  }
0x4f: {  	[tilespmem:s20], [sflag:$0x2] =	stream.indirect_vreg.gather [hbm4b:s2+s3], $0x80, v6, vm0, $0xb8;
	[tilespmem:$0x1A000] =	vst v63  }
0x50: {  	s21 =	simm.s32 $0xA800  }
0x51: {  	[tilespmem:s21], [sflag:$0x2] =	stream.indirect_vreg.gather [hbm4b:s5+s3], $0x80, v6, vm0, $0xb8;
	[tilespmem:$0x1A000] =	vst v63  }
0x52: {  	s22 =	simm.s32 $0xB000  }
0x53: {  	[tilespmem:s22], [sflag:$0x2] =	stream.indirect_vreg.gather [hbm4b:s6+s3], $0x80, v6, vm0, $0xb8;
	[tilespmem:$0x1A000] =	vst v63  }
0x54: {  	s24 =	simm.s32 $0xB800  }
0x55: {  	[tilespmem:s24], [sflag:$0x2] =	stream.indirect_vreg.gather [hbm4b:s7+s3], $0x80, v6, vm0, $0xb8;
	[tilespmem:$0x1A000] =	vst v63  }
0x56: {  	s30 =	simm.s32 $0xC000  }
0x57: {  	[tilespmem:s30], [sflag:$0x2] =	stream.indirect_vreg.gather [hbm4b:s8+s3], $0x80, v6, vm0, $0xb8;
	[tilespmem:$0x1A000] =	vst v63  }
0x58: {  	s31 =	simm.s32 $0xC800;
	v5 =	vperm.xlane v5, v4  }
0x59: {  	[tilespmem:s31], [sflag:$0x2] =	stream.indirect_vreg.gather [hbm4b:s9+s3], $0x80, v6, vm0, $0xb8;
	[tilespmem:$0x1A000] =	vst v63  }
0x5a: {  	s1 =	simm.s32 $0xD000;
	v5 =	vadd.s32 v3, v5  }
0x5b: {  	[tilespmem:s1], [sflag:$0x2] =	stream.indirect_vreg.gather [hbm4b:s10+s3], $0x80, v6, vm0, $0xb8;
	[tilespmem:$0x1A000] =	vst v63  }
0x5c: {  	s4 =	simm.s32 $0xD800  }
0x5d: {  	[tilespmem:s4], [sflag:$0x2] =	stream.indirect_vreg.gather [hbm4b:s12+s3], $0x80, v6, vm0, $0xb8;
	[tilespmem:$0x1A000] =	vst v63  }
0x5e: {  	s13 =	simm.s32 $0xE000  }
0x5f: {  	[tilespmem:s13], [sflag:$0x2] =	stream.indirect_vreg.gather [hbm4b:s2+s3], $0x80, v5, vm0, $0xb8;
	[tilespmem:$0x1A000] =	vst v63  }
0x60: {  	s16 =	simm.s32 $0xE800  }
0x61: {  	[tilespmem:s16], [sflag:$0x2] =	stream.indirect_vreg.gather [hbm4b:s5+s3], $0x80, v5, vm0, $0xb8;
	[tilespmem:$0x1A000] =	vst v63  }
0x62: {  	s17 =	simm.s32 $0xF000  }
0x63: {  	[tilespmem:s17], [sflag:$0x2] =	stream.indirect_vreg.gather [hbm4b:s6+s3], $0x80, v5, vm0, $0xb8;
	[tilespmem:$0x1A000] =	vst v63  }
0x64: {  	s18 =	simm.s32 $0xF800  }
0x65: {  	[tilespmem:s18], [sflag:$0x2] =	stream.indirect_vreg.gather [hbm4b:s7+s3], $0x80, v5, vm0, $0xb8;
	[tilespmem:$0x1A000] =	vst v63  }
0x66: {  	s20 =	simm.s32 $0x10000  }
0x67: {  	[tilespmem:s20], [sflag:$0x2] =	stream.indirect_vreg.gather [hbm4b:s8+s3], $0x80, v5, vm0, $0xb8;
	[tilespmem:$0x1A000] =	vst v63  }
0x68: {  	s21 =	simm.s32 $0x10800  }
0x69: {  	[tilespmem:s21], [sflag:$0x2] =	stream.indirect_vreg.gather [hbm4b:s9+s3], $0x80, v5, vm0, $0xb8;
	[tilespmem:$0x1A000] =	vst v63  }
0x6a: {  	s22 =	simm.s32 $0x11000  }
0x6b: {  	[tilespmem:s22], [sflag:$0x2] =	stream.indirect_vreg.gather [hbm4b:s10+s3], $0x80, v5, vm0, $0xb8;
	[tilespmem:$0x1A000] =	vst v63  }
0x6c: {  	s24 =	simm.s32 $0x11800  }
0x6d: {  	[tilespmem:s24], [sflag:$0x2] =	stream.indirect_vreg.gather [hbm4b:s12+s3], $0x80, v5, vm0, $0xb8;
	[tilespmem:$0x1A000] =	vst v63  }
0x6e: {  	v5 =	vld [tilespmem:$0x100];
	_ =	sdelay $0x4  }
0x6f: {  	v6 =	vshll.u32 v5, $0x4  }
0x70: {  	v5 =	vand.u32 $0x7, v5;
	v6 =	vand.u32 $0xFFFFFF80, v6  }
0x71: {  	v5 =	vor.u32 v5, v6  }
0x72: {  	v6 =	vperm.xlane v5, v2;
	_ =	sdelay $0x1  }
0x73: {  	v6 =	vadd.s32 v3, v6;
	_ =	sdelay $0x4  }
0x74: {  	[tilespmem:s23], [sflag:$0x3] =	stream.indirect_vreg.gather [hbm4b:s2+s3], $0x80, v6, vm0, $0xb8;
	[tilespmem:$0x1A000] =	vst v63  }
0x75: {  	s30 =	simm.s32 $0x12800  }
0x76: {  	[tilespmem:s30], [sflag:$0x3] =	stream.indirect_vreg.gather [hbm4b:s5+s3], $0x80, v6, vm0, $0xb8;
	[tilespmem:$0x1A000] =	vst v63  }
0x77: {  	s31 =	simm.s32 $0x13000  }
0x78: {  	[tilespmem:s31], [sflag:$0x3] =	stream.indirect_vreg.gather [hbm4b:s6+s3], $0x80, v6, vm0, $0xb8;
	[tilespmem:$0x1A000] =	vst v63  }
0x79: {  	s1 =	simm.s32 $0x13800  }
0x7a: {  	[tilespmem:s1], [sflag:$0x3] =	stream.indirect_vreg.gather [hbm4b:s7+s3], $0x80, v6, vm0, $0xb8;
	[tilespmem:$0x1A000] =	vst v63  }
0x7b: {  	s4 =	simm.s32 $0x14000  }
0x7c: {  	[tilespmem:s4], [sflag:$0x3] =	stream.indirect_vreg.gather [hbm4b:s8+s3], $0x80, v6, vm0, $0xb8;
	[tilespmem:$0x1A000] =	vst v63  }
0x7d: {  	s13 =	simm.s32 $0x14800;
	v5 =	vperm.xlane v5, v4  }
0x7e: {  	[tilespmem:s13], [sflag:$0x3] =	stream.indirect_vreg.gather [hbm4b:s9+s3], $0x80, v6, vm0, $0xb8;
	[tilespmem:$0x1A000] =	vst v63  }
0x7f: {  	s16 =	simm.s32 $0x15000;
	v5 =	vadd.s32 v3, v5  }
0x80: {  	[tilespmem:s16], [sflag:$0x3] =	stream.indirect_vreg.gather [hbm4b:s10+s3], $0x80, v6, vm0, $0xb8;
	[tilespmem:$0x1A000] =	vst v63  }
0x81: {  	s17 =	simm.s32 $0x15800  }
0x82: {  	[tilespmem:s17], [sflag:$0x3] =	stream.indirect_vreg.gather [hbm4b:s12+s3], $0x80, v6, vm0, $0xb8;
	[tilespmem:$0x1A000] =	vst v63  }
0x83: {  	s18 =	simm.s32 $0x16000  }
0x84: {  	[tilespmem:s18], [sflag:$0x3] =	stream.indirect_vreg.gather [hbm4b:s2+s3], $0x80, v5, vm0, $0xb8;
	[tilespmem:$0x1A000] =	vst v63  }
0x85: {  	s20 =	simm.s32 $0x16800  }
0x86: {  	[tilespmem:s20], [sflag:$0x3] =	stream.indirect_vreg.gather [hbm4b:s5+s3], $0x80, v5, vm0, $0xb8;
	[tilespmem:$0x1A000] =	vst v63  }
0x87: {  	s21 =	simm.s32 $0x17000  }
0x88: {  	[tilespmem:s21], [sflag:$0x3] =	stream.indirect_vreg.gather [hbm4b:s6+s3], $0x80, v5, vm0, $0xb8;
	[tilespmem:$0x1A000] =	vst v63  }
0x89: {  	s22 =	simm.s32 $0x17800  }
0x8a: {  	[tilespmem:s22], [sflag:$0x3] =	stream.indirect_vreg.gather [hbm4b:s7+s3], $0x80, v5, vm0, $0xb8;
	[tilespmem:$0x1A000] =	vst v63  }
0x8b: {  	s23 =	simm.s32 $0x18000  }
0x8c: {  	[tilespmem:s23], [sflag:$0x3] =	stream.indirect_vreg.gather [hbm4b:s8+s3], $0x80, v5, vm0, $0xb8;
	[tilespmem:$0x1A000] =	vst v63  }
0x8d: {  	s24 =	simm.s32 $0x18800  }
0x8e: {  	[tilespmem:s24], [sflag:$0x3] =	stream.indirect_vreg.gather [hbm4b:s9+s3], $0x80, v5, vm0, $0xb8;
	[tilespmem:$0x1A000] =	vst v63  }
0x8f: {  	s30 =	simm.s32 $0x19000  }
0x90: {  	[tilespmem:s30], [sflag:$0x3] =	stream.indirect_vreg.gather [hbm4b:s10+s3], $0x80, v5, vm0, $0xb8;
	[tilespmem:$0x1A000] =	vst v63  }
0x91: {  	s31 =	simm.s32 $0x19800;
	s17 =	simm.s32 $0x0  }
0x92: {  	[tilespmem:s31], [sflag:$0x3] =	stream.indirect_vreg.gather [hbm4b:s12+s3], $0x80, v5, vm0, $0xb8;
	[tilespmem:$0x1A000] =	vst v63  }
0x93: {  	s29 =	simm.s32 $0x400;
	s1 =	simm.s32 $0xA000;
	v5 =	vld [tilespmem:s17+$0x200]  }
.LBB2_2:
0x94: {  	p0 =	sne.s32 s29, $0x7400;
	v6 =	vld [tilespmem:s17+$0x280];
	_ =	sdelay $0x1  }
.Ltmp0:
0x95: {  	(pc) =	sbr.rel @p0 .LBB2_2-.Ltmp0, $4  }
0x96: {  	_ = 	snop  }
0x97: {  	v5 =	vadd.s32 v0, v5  }
0x98: {  	s30 =	sshra.s32 s29, $0x2;
	[tilespmem:s17+$0x200] =	vst v5;
	v6 =	vadd.s32 v1, v6  }
0x99: {  	s29 =	sadd.s32 $0x400, s29;
	v5 =	vld [tilespmem:s30+$0x200];
	[tilespmem:s17+$0x280] =	vst v6;
	s17 =	smov.u32 s30  }
0x9a: {  	v6 =	vld [tilespmem:s17+$0x280];
	_ =	sdelay $0x3  }
0x9b: {  	v5 =	vadd.s32 v0, v5  }
0x9c: {  	[tilespmem:s17+$0x200] =	vst v5;
	v5 =	vadd.s32 v1, v6  }
0x9d: {  	[tilespmem:s17+$0x280] =	vst v5  }
0x9e: {  	_ =	swait.ge [sflag:s14], $0x8000  }
0x9f: {  	s29 =	simm.s32 $0x0;
	[sflag:s14] =	ssyncset.done $0x0  }
0xa0: {  	s0 =	simm.s32 $0x2000;
	s22 =	rddreg [dreg:$0x6];
	[sflag:s14] =	ssyncadd.s32 $0xFFFF8000  }
0xa1: {  	[hbm4b:s22+s29] =	stream.linear.scatter [tilespmem:s0], [sflag:$0x4], $0x8000, $0x38;
	[tilespmem:$0x1A000] =	vst v63  }
0xa2: {  	_ =	swait.ge [sflag:s25], $0x8000  }
0xa3: {  	[sflag:s25] =	ssyncset.done $0x0  }
0xa4: {  	s23 =	rddreg [dreg:$0x7];
	[sflag:s25] =	ssyncadd.s32 $0xFFFF8000  }
0xa5: {  	[hbm4b:s23+s29] =	stream.linear.scatter [tilespmem:s1], [sflag:$0x5], $0x8000, $0x38;
	[tilespmem:$0x1A000] =	vst v63  }
0xa6: {  	_ =	swait.ge [sflag:s15], $0x8000  }
0xa7: {  	[sflag:s15] =	ssyncset.done $0x0  }
0xa8: {  	[sflag:s15] =	ssyncadd.s32 $0xFFFF8000  }
0xa9: {  	v5 =	vld [tilespmem:$0x180];
	_ =	sdelay $0x4  }
0xaa: {  	v6 =	vshll.u32 v5, $0x4  }
0xab: {  	v5 =	vand.u32 $0x7, v5;
	v6 =	vand.u32 $0xFFFFFF80, v6  }
0xac: {  	v5 =	vor.u32 v5, v6  }
0xad: {  	v6 =	vperm.xlane v5, v2;
	_ =	sdelay $0x1  }
0xae: {  	v6 =	vadd.s32 v3, v6;
	_ =	sdelay $0x4  }
0xaf: {  	[tilespmem:s0], [sflag:$0x1] =	stream.indirect_vreg.gather [hbm4b:s2+s29], $0x80, v6, vm0, $0xb8;
	[tilespmem:$0x1A000] =	vst v63  }
0xb0: {  	_ = 	snop  }
0xb1: {  	[tilespmem:s19], [sflag:$0x1] =	stream.indirect_vreg.gather [hbm4b:s5+s29], $0x80, v6, vm0, $0xb8;
	[tilespmem:$0x1A000] =	vst v63  }
0xb2: {  	s24 =	simm.s32 $0x3000  }
0xb3: {  	[tilespmem:s24], [sflag:$0x1] =	stream.indirect_vreg.gather [hbm4b:s6+s29], $0x80, v6, vm0, $0xb8;
	[tilespmem:$0x1A000] =	vst v63  }
0xb4: {  	s30 =	simm.s32 $0x3800  }
0xb5: {  	[tilespmem:s30], [sflag:$0x1] =	stream.indirect_vreg.gather [hbm4b:s7+s29], $0x80, v6, vm0, $0xb8;
	[tilespmem:$0x1A000] =	vst v63  }
0xb6: {  	s1 =	simm.s32 $0x4000  }
0xb7: {  	[tilespmem:s1], [sflag:$0x1] =	stream.indirect_vreg.gather [hbm4b:s8+s29], $0x80, v6, vm0, $0xb8;
	[tilespmem:$0x1A000] =	vst v63  }
0xb8: {  	s4 =	simm.s32 $0x4800;
	v5 =	vperm.xlane v5, v4  }
0xb9: {  	[tilespmem:s4], [sflag:$0x1] =	stream.indirect_vreg.gather [hbm4b:s9+s29], $0x80, v6, vm0, $0xb8;
	[tilespmem:$0x1A000] =	vst v63  }
0xba: {  	s16 =	simm.s32 $0x5000;
	v5 =	vadd.s32 v3, v5  }
0xbb: {  	[tilespmem:s16], [sflag:$0x1] =	stream.indirect_vreg.gather [hbm4b:s10+s29], $0x80, v6, vm0, $0xb8;
	[tilespmem:$0x1A000] =	vst v63  }
0xbc: {  	s17 =	simm.s32 $0x5800  }
0xbd: {  	[tilespmem:s17], [sflag:$0x1] =	stream.indirect_vreg.gather [hbm4b:s12+s29], $0x80, v6, vm0, $0xb8;
	[tilespmem:$0x1A000] =	vst v63  }
0xbe: {  	s18 =	simm.s32 $0x6000  }
0xbf: {  	[tilespmem:s18], [sflag:$0x1] =	stream.indirect_vreg.gather [hbm4b:s2+s29], $0x80, v5, vm0, $0xb8;
	[tilespmem:$0x1A000] =	vst v63  }
0xc0: {  	s19 =	simm.s32 $0x6800  }
0xc1: {  	[tilespmem:s19], [sflag:$0x1] =	stream.indirect_vreg.gather [hbm4b:s5+s29], $0x80, v5, vm0, $0xb8;
	[tilespmem:$0x1A000] =	vst v63  }
0xc2: {  	s13 =	simm.s32 $0x2000;
	s20 =	simm.s32 $0x7000;
	s21 =	simm.s32 $0x7800  }
0xc3: {  	[tilespmem:s20], [sflag:$0x1] =	stream.indirect_vreg.gather [hbm4b:s6+s29], $0x80, v5, vm0, $0xb8;
	[tilespmem:$0x1A000] =	vst v63  }
0xc4: {  	s31 =	simm.s32 $0xA000;
	s22 =	simm.s32 $0x8000;
	s23 =	simm.s32 $0x8800  }
0xc5: {  	[tilespmem:s21], [sflag:$0x1] =	stream.indirect_vreg.gather [hbm4b:s7+s29], $0x80, v5, vm0, $0xb8;
	[tilespmem:$0x1A000] =	vst v63  }
0xc6: {  	s0 =	simm.s32 $0x16800;
	s24 =	simm.s32 $0x9000;
	s30 =	simm.s32 $0x9800  }
0xc7: {  	[tilespmem:s22], [sflag:$0x1] =	stream.indirect_vreg.gather [hbm4b:s8+s29], $0x80, v5, vm0, $0xb8;
	[tilespmem:$0x1A000] =	vst v63  }
0xc8: {  	s1 =	simm.s32 $0x18800;
	s16 =	simm.s32 $0x18000;
	s17 =	simm.s32 $0x300  }
0xc9: {  	[tilespmem:s23], [sflag:$0x1] =	stream.indirect_vreg.gather [hbm4b:s9+s29], $0x80, v5, vm0, $0xb8;
	[tilespmem:$0x1A000] =	vst v63  }
0xca: {  	s18 =	simm.s32 $0x17000;
	s20 =	simm.s32 $0x19800;
	s21 =	simm.s32 $0x17800  }
0xcb: {  	[tilespmem:s24], [sflag:$0x1] =	stream.indirect_vreg.gather [hbm4b:s10+s29], $0x80, v5, vm0, $0xb8;
	[tilespmem:$0x1A000] =	vst v63  }
0xcc: {  	s22 =	simm.s32 $0x19000;
	s23 =	simm.s32 $0x12000;
	s24 =	simm.s32 $0x16000  }
0xcd: {  	[tilespmem:s30], [sflag:$0x1] =	stream.indirect_vreg.gather [hbm4b:s12+s29], $0x80, v5, vm0, $0xb8;
	[tilespmem:$0x1A000] =	vst v63  }
.LBB2_4:
0xce: {  	_ =	swait.ge [sflag:s26], $0x8000  }
0xcf: {  	s30 =	rddreg [dreg:$0x4]  }
0xd0: {  	[sflag:s26] =	ssyncset.done $0x0;
	s30 =	sadd.s32 s29, s30  }
0xd1: {  	[sflag:s26] =	ssyncadd.s32 $0xFFFF8000;
	s19 =	sadd.s32 $0x2000, s30  }
0xd2: {  	[hbm4b:s19+s3] =	stream.linear.scatter [tilespmem:s23], [sflag:$0x6], $0x8000, $0x38;
	[tilespmem:$0x1A000] =	vst v63  }
0xd3: {  	_ =	swait.ge [sflag:s28], $0x8000  }
0xd4: {  	[sflag:s28] =	ssyncset.done $0x0  }
0xd5: {  	[sflag:s28] =	ssyncadd.s32 $0xFFFF8000  }
0xd6: {  	v5 =	vld [tilespmem:s17+$0xFFFFFF00];
	_ =	sdelay $0x4  }
0xd7: {  	v6 =	vshll.u32 v5, $0x4  }
0xd8: {  	v5 =	vand.u32 $0x7, v5;
	v6 =	vand.u32 $0xFFFFFF80, v6  }
0xd9: {  	v5 =	vor.u32 v5, v6  }
0xda: {  	v6 =	vperm.xlane v5, v2;
	_ =	sdelay $0x1  }
0xdb: {  	v6 =	vadd.s32 v3, v6;
	_ =	sdelay $0x4  }
0xdc: {  	[tilespmem:s31], [sflag:$0x2] =	stream.indirect_vreg.gather [hbm4b:s2+s3], $0x80, v6, vm0, $0xb8;
	[tilespmem:$0x1A000] =	vst v63  }
0xdd: {  	s4 =	simm.s32 $0xA800  }
0xde: {  	[tilespmem:s4], [sflag:$0x2] =	stream.indirect_vreg.gather [hbm4b:s5+s3], $0x80, v6, vm0, $0xb8;
	[tilespmem:$0x1A000] =	vst v63  }
0xdf: {  	s19 =	simm.s32 $0xB000  }
0xe0: {  	[tilespmem:s19], [sflag:$0x2] =	stream.indirect_vreg.gather [hbm4b:s6+s3], $0x80, v6, vm0, $0xb8;
	[tilespmem:$0x1A000] =	vst v63  }
0xe1: {  	s19 =	simm.s32 $0xB800  }
0xe2: {  	[tilespmem:s19], [sflag:$0x2] =	stream.indirect_vreg.gather [hbm4b:s7+s3], $0x80, v6, vm0, $0xb8;
	[tilespmem:$0x1A000] =	vst v63  }
0xe3: {  	s19 =	simm.s32 $0xC000  }
0xe4: {  	[tilespmem:s19], [sflag:$0x2] =	stream.indirect_vreg.gather [hbm4b:s8+s3], $0x80, v6, vm0, $0xb8;
	[tilespmem:$0x1A000] =	vst v63  }
0xe5: {  	v5 =	vperm.xlane v5, v4;
	s19 =	simm.s32 $0xC800  }
0xe6: {  	[tilespmem:s19], [sflag:$0x2] =	stream.indirect_vreg.gather [hbm4b:s9+s3], $0x80, v6, vm0, $0xb8;
	[tilespmem:$0x1A000] =	vst v63  }
0xe7: {  	v5 =	vadd.s32 v3, v5;
	s19 =	simm.s32 $0xD000  }
0xe8: {  	[tilespmem:s19], [sflag:$0x2] =	stream.indirect_vreg.gather [hbm4b:s10+s3], $0x80, v6, vm0, $0xb8;
	[tilespmem:$0x1A000] =	vst v63  }
0xe9: {  	s19 =	simm.s32 $0xD800  }
0xea: {  	[tilespmem:s19], [sflag:$0x2] =	stream.indirect_vreg.gather [hbm4b:s12+s3], $0x80, v6, vm0, $0xb8;
	[tilespmem:$0x1A000] =	vst v63  }
0xeb: {  	s19 =	simm.s32 $0xE000  }
0xec: {  	[tilespmem:s19], [sflag:$0x2] =	stream.indirect_vreg.gather [hbm4b:s2+s3], $0x80, v5, vm0, $0xb8;
	[tilespmem:$0x1A000] =	vst v63  }
0xed: {  	s19 =	simm.s32 $0xE800  }
0xee: {  	[tilespmem:s19], [sflag:$0x2] =	stream.indirect_vreg.gather [hbm4b:s5+s3], $0x80, v5, vm0, $0xb8;
	[tilespmem:$0x1A000] =	vst v63  }
0xef: {  	s19 =	simm.s32 $0xF000  }
0xf0: {  	[tilespmem:s19], [sflag:$0x2] =	stream.indirect_vreg.gather [hbm4b:s6+s3], $0x80, v5, vm0, $0xb8;
	[tilespmem:$0x1A000] =	vst v63  }
0xf1: {  	s19 =	simm.s32 $0xF800  }
0xf2: {  	[tilespmem:s19], [sflag:$0x2] =	stream.indirect_vreg.gather [hbm4b:s7+s3], $0x80, v5, vm0, $0xb8;
	[tilespmem:$0x1A000] =	vst v63  }
0xf3: {  	s19 =	simm.s32 $0x10000  }
0xf4: {  	[tilespmem:s19], [sflag:$0x2] =	stream.indirect_vreg.gather [hbm4b:s8+s3], $0x80, v5, vm0, $0xb8;
	[tilespmem:$0x1A000] =	vst v63  }
0xf5: {  	s19 =	simm.s32 $0x10800  }
0xf6: {  	[tilespmem:s19], [sflag:$0x2] =	stream.indirect_vreg.gather [hbm4b:s9+s3], $0x80, v5, vm0, $0xb8;
	[tilespmem:$0x1A000] =	vst v63  }
0xf7: {  	s19 =	simm.s32 $0x11000  }
0xf8: {  	[tilespmem:s19], [sflag:$0x2] =	stream.indirect_vreg.gather [hbm4b:s10+s3], $0x80, v5, vm0, $0xb8;
	[tilespmem:$0x1A000] =	vst v63  }
0xf9: {  	s19 =	simm.s32 $0x11800  }
0xfa: {  	[tilespmem:s19], [sflag:$0x2] =	stream.indirect_vreg.gather [hbm4b:s12+s3], $0x80, v5, vm0, $0xb8;
	[tilespmem:$0x1A000] =	vst v63  }
0xfb: {  	_ =	swait.ge [sflag:s14], $0x8000  }
0xfc: {  	[sflag:s14] =	ssyncset.done $0x0  }
0xfd: {  	s4 =	sadd.s32 $0x3000, s30;
	[sflag:s14] =	ssyncadd.s32 $0xFFFF8000  }
0xfe: {  	[hbm4b:s4+s3] =	stream.linear.scatter [tilespmem:s13], [sflag:$0x4], $0x8000, $0x38;
	[tilespmem:$0x1A000] =	vst v63  }
0xff: {  	_ =	swait.ge [sflag:s11], $0x8000  }
0x100: {  	[sflag:s11] =	ssyncset.done $0x0  }
0x101: {  	[sflag:s11] =	ssyncadd.s32 $0xFFFF8000  }
0x102: {  	v5 =	vld [tilespmem:s17+$0xFFFFFF80];
	_ =	sdelay $0x4  }
0x103: {  	v6 =	vshll.u32 v5, $0x4  }
0x104: {  	v5 =	vand.u32 $0x7, v5;
	v6 =	vand.u32 $0xFFFFFF80, v6  }
0x105: {  	v5 =	vor.u32 v5, v6  }
0x106: {  	v6 =	vperm.xlane v5, v2;
	_ =	sdelay $0x1  }
0x107: {  	v6 =	vadd.s32 v3, v6;
	_ =	sdelay $0x4  }
0x108: {  	[tilespmem:s23], [sflag:$0x3] =	stream.indirect_vreg.gather [hbm4b:s2+s3], $0x80, v6, vm0, $0xb8;
	[tilespmem:$0x1A000] =	vst v63  }
0x109: {  	s19 =	simm.s32 $0x12800  }
0x10a: {  	[tilespmem:s19], [sflag:$0x3] =	stream.indirect_vreg.gather [hbm4b:s5+s3], $0x80, v6, vm0, $0xb8;
	[tilespmem:$0x1A000] =	vst v63  }
0x10b: {  	s19 =	simm.s32 $0x13000  }
0x10c: {  	[tilespmem:s19], [sflag:$0x3] =	stream.indirect_vreg.gather [hbm4b:s6+s3], $0x80, v6, vm0, $0xb8;
	[tilespmem:$0x1A000] =	vst v63  }
0x10d: {  	s19 =	simm.s32 $0x13800  }
0x10e: {  	[tilespmem:s19], [sflag:$0x3] =	stream.indirect_vreg.gather [hbm4b:s7+s3], $0x80, v6, vm0, $0xb8;
	[tilespmem:$0x1A000] =	vst v63  }
0x10f: {  	s19 =	simm.s32 $0x14000  }
0x110: {  	[tilespmem:s19], [sflag:$0x3] =	stream.indirect_vreg.gather [hbm4b:s8+s3], $0x80, v6, vm0, $0xb8;
	[tilespmem:$0x1A000] =	vst v63  }
0x111: {  	v5 =	vperm.xlane v5, v4;
	s19 =	simm.s32 $0x14800  }
0x112: {  	[tilespmem:s19], [sflag:$0x3] =	stream.indirect_vreg.gather [hbm4b:s9+s3], $0x80, v6, vm0, $0xb8;
	[tilespmem:$0x1A000] =	vst v63  }
0x113: {  	v5 =	vadd.s32 v3, v5;
	s19 =	simm.s32 $0x15000  }
0x114: {  	[tilespmem:s19], [sflag:$0x3] =	stream.indirect_vreg.gather [hbm4b:s10+s3], $0x80, v6, vm0, $0xb8;
	[tilespmem:$0x1A000] =	vst v63  }
0x115: {  	s19 =	simm.s32 $0x15800  }
0x116: {  	[tilespmem:s19], [sflag:$0x3] =	stream.indirect_vreg.gather [hbm4b:s12+s3], $0x80, v6, vm0, $0xb8;
	[tilespmem:$0x1A000] =	vst v63  }
0x117: {  	_ = 	snop  }
0x118: {  	[tilespmem:s24], [sflag:$0x3] =	stream.indirect_vreg.gather [hbm4b:s2+s3], $0x80, v5, vm0, $0xb8;
	[tilespmem:$0x1A000] =	vst v63  }
0x119: {  	_ = 	snop  }
0x11a: {  	[tilespmem:s0], [sflag:$0x3] =	stream.indirect_vreg.gather [hbm4b:s5+s3], $0x80, v5, vm0, $0xb8;
	[tilespmem:$0x1A000] =	vst v63  }
0x11b: {  	_ = 	snop  }
0x11c: {  	[tilespmem:s18], [sflag:$0x3] =	stream.indirect_vreg.gather [hbm4b:s6+s3], $0x80, v5, vm0, $0xb8;
	[tilespmem:$0x1A000] =	vst v63  }
0x11d: {  	_ = 	snop  }
0x11e: {  	[tilespmem:s21], [sflag:$0x3] =	stream.indirect_vreg.gather [hbm4b:s7+s3], $0x80, v5, vm0, $0xb8;
	[tilespmem:$0x1A000] =	vst v63  }
0x11f: {  	_ = 	snop  }
0x120: {  	[tilespmem:s16], [sflag:$0x3] =	stream.indirect_vreg.gather [hbm4b:s8+s3], $0x80, v5, vm0, $0xb8;
	[tilespmem:$0x1A000] =	vst v63  }
0x121: {  	_ = 	snop  }
0x122: {  	[tilespmem:s1], [sflag:$0x3] =	stream.indirect_vreg.gather [hbm4b:s9+s3], $0x80, v5, vm0, $0xb8;
	[tilespmem:$0x1A000] =	vst v63  }
0x123: {  	_ = 	snop  }
0x124: {  	[tilespmem:s22], [sflag:$0x3] =	stream.indirect_vreg.gather [hbm4b:s10+s3], $0x80, v5, vm0, $0xb8;
	[tilespmem:$0x1A000] =	vst v63  }
0x125: {  	_ = 	snop  }
0x126: {  	[tilespmem:s20], [sflag:$0x3] =	stream.indirect_vreg.gather [hbm4b:s12+s3], $0x80, v5, vm0, $0xb8;
	[tilespmem:$0x1A000] =	vst v63  }
0x127: {  	_ =	swait.ge [sflag:s25], $0x8000  }
0x128: {  	[sflag:s25] =	ssyncset.done $0x0  }
0x129: {  	s4 =	sadd.s32 $0x4000, s30;
	[sflag:s25] =	ssyncadd.s32 $0xFFFF8000  }
0x12a: {  	[hbm4b:s4+s3] =	stream.linear.scatter [tilespmem:s31], [sflag:$0x5], $0x8000, $0x38;
	[tilespmem:$0x1A000] =	vst v63  }
0x12b: {  	_ =	swait.ge [sflag:s15], $0x8000  }
0x12c: {  	[sflag:s15] =	ssyncset.done $0x0  }
0x12d: {  	[sflag:s15] =	ssyncadd.s32 $0xFFFF8000  }
0x12e: {  	v5 =	vld [tilespmem:s17+$0x0];
	_ =	sdelay $0x4  }
0x12f: {  	v6 =	vshll.u32 v5, $0x4  }
0x130: {  	v5 =	vand.u32 $0x7, v5;
	v6 =	vand.u32 $0xFFFFFF80, v6  }
0x131: {  	v5 =	vor.u32 v5, v6  }
0x132: {  	v6 =	vperm.xlane v5, v2;
	_ =	sdelay $0x1  }
0x133: {  	v6 =	vadd.s32 v3, v6;
	_ =	sdelay $0x4  }
0x134: {  	[tilespmem:s13], [sflag:$0x1] =	stream.indirect_vreg.gather [hbm4b:s2+s3], $0x80, v6, vm0, $0xb8;
	[tilespmem:$0x1A000] =	vst v63  }
0x135: {  	s19 =	simm.s32 $0x2800  }
0x136: {  	[tilespmem:s19], [sflag:$0x1] =	stream.indirect_vreg.gather [hbm4b:s5+s3], $0x80, v6, vm0, $0xb8;
	[tilespmem:$0x1A000] =	vst v63  }
0x137: {  	s30 =	simm.s32 $0x3000  }
0x138: {  	[tilespmem:s30], [sflag:$0x1] =	stream.indirect_vreg.gather [hbm4b:s6+s3], $0x80, v6, vm0, $0xb8;
	[tilespmem:$0x1A000] =	vst v63  }
0x139: {  	s4 =	simm.s32 $0x3800  }
0x13a: {  	[tilespmem:s4], [sflag:$0x1] =	stream.indirect_vreg.gather [hbm4b:s7+s3], $0x80, v6, vm0, $0xb8;
	[tilespmem:$0x1A000] =	vst v63  }
0x13b: {  	s4 =	simm.s32 $0x4000  }
0x13c: {  	[tilespmem:s4], [sflag:$0x1] =	stream.indirect_vreg.gather [hbm4b:s8+s3], $0x80, v6, vm0, $0xb8;
	[tilespmem:$0x1A000] =	vst v63  }
0x13d: {  	v5 =	vperm.xlane v5, v4;
	s4 =	simm.s32 $0x4800  }
0x13e: {  	[tilespmem:s4], [sflag:$0x1] =	stream.indirect_vreg.gather [hbm4b:s9+s3], $0x80, v6, vm0, $0xb8;
	[tilespmem:$0x1A000] =	vst v63  }
0x13f: {  	v5 =	vadd.s32 v3, v5;
	s4 =	simm.s32 $0x5000  }
0x140: {  	[tilespmem:s4], [sflag:$0x1] =	stream.indirect_vreg.gather [hbm4b:s10+s3], $0x80, v6, vm0, $0xb8;
	[tilespmem:$0x1A000] =	vst v63  }
0x141: {  	s4 =	simm.s32 $0x5800  }
0x142: {  	[tilespmem:s4], [sflag:$0x1] =	stream.indirect_vreg.gather [hbm4b:s12+s3], $0x80, v6, vm0, $0xb8;
	[tilespmem:$0x1A000] =	vst v63  }
0x143: {  	s4 =	simm.s32 $0x6000  }
0x144: {  	[tilespmem:s4], [sflag:$0x1] =	stream.indirect_vreg.gather [hbm4b:s2+s3], $0x80, v5, vm0, $0xb8;
	[tilespmem:$0x1A000] =	vst v63  }
0x145: {  	s4 =	simm.s32 $0x6800  }
0x146: {  	[tilespmem:s4], [sflag:$0x1] =	stream.indirect_vreg.gather [hbm4b:s5+s3], $0x80, v5, vm0, $0xb8;
	[tilespmem:$0x1A000] =	vst v63  }
0x147: {  	s4 =	simm.s32 $0x7000  }
0x148: {  	[tilespmem:s4], [sflag:$0x1] =	stream.indirect_vreg.gather [hbm4b:s6+s3], $0x80, v5, vm0, $0xb8;
	[tilespmem:$0x1A000] =	vst v63  }
0x149: {  	s4 =	simm.s32 $0x7800  }
0x14a: {  	[tilespmem:s4], [sflag:$0x1] =	stream.indirect_vreg.gather [hbm4b:s7+s3], $0x80, v5, vm0, $0xb8;
	[tilespmem:$0x1A000] =	vst v63  }
0x14b: {  	s4 =	simm.s32 $0x8000  }
0x14c: {  	[tilespmem:s4], [sflag:$0x1] =	stream.indirect_vreg.gather [hbm4b:s8+s3], $0x80, v5, vm0, $0xb8;
	[tilespmem:$0x1A000] =	vst v63  }
0x14d: {  	p0 =	sne.s32 s29, $0x39000;
	s4 =	simm.s32 $0x8800  }
0x14e: {  	[tilespmem:s4], [sflag:$0x1] =	stream.indirect_vreg.gather [hbm4b:s9+s3], $0x80, v5, vm0, $0xb8;
	[tilespmem:$0x1A000] =	vst v63  }
.Ltmp1:
0x14f: {  	_ = 	snop;
	(pc) =	sbr.rel @p0 .LBB2_4-.Ltmp1, $4  }
0x150: {  	s4 =	simm.s32 $0x9000  }
0x151: {  	[tilespmem:s4], [sflag:$0x1] =	stream.indirect_vreg.gather [hbm4b:s10+s3], $0x80, v5, vm0, $0xb8;
	[tilespmem:$0x1A000] =	vst v63  }
0x152: {  	s29 =	sadd.s32 $0x3000, s29;
	s17 =	sadd.s32 $0x180, s17;
	s4 =	simm.s32 $0x9800  }
0x153: {  	[tilespmem:s4], [sflag:$0x1] =	stream.indirect_vreg.gather [hbm4b:s12+s3], $0x80, v5, vm0, $0xb8;
	[tilespmem:$0x1A000] =	vst v63  }
0x154: {  	_ =	swait.ge [sflag:s26], $0x8000  }
0x155: {  	[sflag:s26] =	ssyncset.done $0x0  }
0x156: {  	s17 =	rddreg [dreg:$0x8];
	[sflag:s26] =	ssyncadd.s32 $0xFFFF8000  }
0x157: {  	[hbm4b:s17+s3] =	stream.linear.scatter [tilespmem:s23], [sflag:$0x6], $0x8000, $0x38;
	[tilespmem:$0x1A000] =	vst v63  }
0x158: {  	_ =	swait.ge [sflag:s28], $0x8000  }
0x159: {  	[sflag:s28] =	ssyncset.done $0x0  }
0x15a: {  	[sflag:s28] =	ssyncadd.s32 $0xFFFF8000  }
0x15b: {  	_ =	swait.ge [sflag:s14], $0x8000  }
0x15c: {  	[sflag:s14] =	ssyncset.done $0x0  }
0x15d: {  	s22 =	rddreg [dreg:$0x9];
	[sflag:s14] =	ssyncadd.s32 $0xFFFF8000  }
0x15e: {  	[hbm4b:s22+s3] =	stream.linear.scatter [tilespmem:s13], [sflag:$0x4], $0x8000, $0x38;
	[tilespmem:$0x1A000] =	vst v63  }
0x15f: {  	_ =	swait.ge [sflag:s11], $0x8000  }
0x160: {  	[sflag:s11] =	ssyncset.done $0x0  }
0x161: {  	[sflag:s11] =	ssyncadd.s32 $0xFFFF8000  }
0x162: {  	_ =	swait.ge [sflag:s15], $0x8000  }
0x163: {  	s0 =	rddreg [dreg:$0xb]  }
0x164: {  	s24 =	rddreg [dreg:$0xa];
	s0 =	sadd.s32 $0x1, s0  }
0x165: {  	s29 =	simm.s32 $0x3800;
	p0 =	sne.s32 s0, s24  }
.Ltmp2:
0x166: {  	s20 =	simm.s32 $0x4000;
	s21 =	simm.s32 $0x5000;
	(pc) =	sbr.rel @p0 .LBB2_1-.Ltmp2, $4  }
0x167: {  	s1 =	simm.s32 $0x5800;
	s4 =	simm.s32 $0x6800;
	s31 =	simm.s32 $0x7000  }
0x168: {  	s18 =	simm.s32 $0x8000;
	s16 =	simm.s32 $0x2000;
	[sflag:s15] =	ssyncset.done $0x0  }
0x169: {  	s22 =	simm.s32 $0x6000;
	s13 =	simm.s32 $0x8800;
	[sflag:s15] =	ssyncadd.s32 $0xFFFF8000  }
0x16a: {  	[dreg:$0xb] =	wrdreg s0;
	s0 =	simm.s32 $0x4800;
	s24 =	simm.s32 $0x7800  }
0x16b: {  	_ =	sfence.sel $0x180000  }
0x16c: {  	[bflag:$0x0] =	sbarrier.arrive $0xFFFF  }
0x16d: {  	_ =	strace $0x90000047  }
0x16e: {  	s0 =	stileid.u32;
	[bflag:$0x2] =	sbarrier.arrive $0xFFFF  }
0x16f: {  	p0 =	sne.s32 s0, $0x0;
	s0 =	rddreg [dreg:$0x3]  }
0x170: {  	s0 =	sadd.s32 @!p0 $0x100000, s0  }
0x171: {  	[sflag:s0] =	ssyncadd.tile.s32 @!p0 $0x1;
	_ =	shalt  }
.Lfunc_end2:
_tile_overlayer_lowered:
.L_overlay_start_2:
0x172: {  	(tag) =	ssettag $0x2  }
0x173: {  	s0 =	rddreg [dreg:$0x0];
	s2 =	stileid.u32  }
0x174: {  	s1 =	rddreg [dreg:$0x1];
	p0 =	sne.s32 s2, $0x0  }
0x175: {  	s3 =	rddreg [dreg:$0x2];
	[bflag:$0x3] =	sbarrier.arrive $0xFFFF;
	s2 =	simm.s32 @!p0 $0x1C07  }
0x176: {  	[timem:s3], [sflag:s2] =	dma.local @!p0 [hbm:s0], s1  }
0x177: {  	s0 =	simm.s32 @!p0 $0x7  }
0x178: {  	_ =	swait.ge @!p0 [sflag:s0], s1  }
0x179: {  	s1 =	ssub.s32 @!p0 $0x0, s1;
	[sflag:s0] =	ssyncset.done @!p0 $0x0  }
0x17a: {  	[sflag:s0] =	ssyncadd.s32 @!p0 s1  }
0x17b: {  	[bflag:$0x3] =	sbarrier.arrive $0xFFFF  }
0x17c: {  	_ =	shalt  }

</sc_bundles>
